<compile_context>
chip_gen: v7x
topology: tpu7x:2x2x1
jax: 0.10.2.dev20260603
libtpu: 0.0.44.dev20260713+nightly
codegen_flags: <defaults>
</compile_context>

<pallas_src>
import functools

import jax
import jax.numpy as jnp
from jax import lax
from jax.experimental import pallas as pl
from jax.experimental.pallas import tpu as pltpu
from jax.experimental.pallas import tpu_sc as plsc

N_TOKEN = 1000000
EMB_DIM = 32
BATCH = 4096
SEQ_LEN = 200

TOTAL = BATCH * SEQ_LEN
NUM_CORES = 2
NUM_SUBCORES = 16
NW = NUM_CORES * NUM_SUBCORES
PER_W = TOTAL // NW
CHUNK = 128
ROWS_PER_GROUP = 512
CH_PER_GROUP = ROWS_PER_GROUP // CHUNK
N_GROUP = PER_W // ROWS_PER_GROUP
N_CHUNK = PER_W // CHUNK
NBUF = 5
N_OUTER = N_GROUP // NBUF


def _make_sc_kernel():
    mesh = plsc.VectorSubcoreMesh(core_axis_name="c", subcore_axis_name="s")

    @functools.partial(
        pl.kernel,
        mesh=mesh,
        out_type=jax.ShapeDtypeStruct((TOTAL, EMB_DIM), jnp.float32),
        compiler_params=pltpu.CompilerParams(use_tc_tiling_on_sc=False),
        scratch_types=(
            [pltpu.VMEM((N_CHUNK, CHUNK), jnp.int32)]
            + [pltpu.VMEM((ROWS_PER_GROUP, EMB_DIM), jnp.float32)
               for _ in range(NBUF)]
            + [pltpu.SemaphoreType.DMA for _ in range(2 * NBUF)]
        ),
    )
    def emb_kernel(idx_hbm, table_hbm, out_hbm, idx_v, *bufs_and_sems):
        rows = bufs_and_sems[:NBUF]
        gsem = bufs_and_sems[NBUF:2 * NBUF]
        osem = bufs_and_sems[2 * NBUF:]
        wid = lax.axis_index("s") * NUM_CORES + lax.axis_index("c")
        pltpu.sync_copy(idx_hbm.at[pl.ds(wid * N_CHUNK, N_CHUNK)], idx_v)
        t_base = wid * PER_W

        def fire_gathers(g, b):
            for j in range(CH_PER_GROUP):
                pltpu.async_copy(
                    table_hbm.at[idx_v.at[g * CH_PER_GROUP + j]],
                    rows[b].at[pl.ds(j * CHUNK, CHUNK)],
                    gsem[b])

        def drain_gathers(b):
            pltpu.make_async_copy(
                table_hbm.at[pl.ds(0, ROWS_PER_GROUP)],
                rows[b],
                gsem[b]).wait()

        def fire_write(g, b):
            pltpu.async_copy(
                rows[b],
                out_hbm.at[pl.ds(t_base + g * ROWS_PER_GROUP, ROWS_PER_GROUP)],
                osem[b])

        def drain_write(b):
            pltpu.make_async_copy(
                rows[b], out_hbm.at[pl.ds(t_base, ROWS_PER_GROUP)],
                osem[b]).wait()

        for b in range(NBUF):
            fire_gathers(b, b)

        def loop_body(h, carry):
            for b in range(NBUF):
                g = h * NBUF + b
                drain_gathers(b)
                fire_write(g, b)
            for b in range(NBUF):
                g = h * NBUF + b
                drain_write(b)

                @pl.when(g + NBUF < N_GROUP)
                def _():
                    fire_gathers(g + NBUF, b)
            return carry

        lax.fori_loop(0, N_OUTER, loop_body, 0)

    return emb_kernel


_sc_kernel = _make_sc_kernel()


def kernel(input, table):
    idx2d = input.reshape(NW * N_CHUNK, CHUNK)
    out = _sc_kernel(idx2d, table)
    return out.reshape(BATCH, SEQ_LEN, EMB_DIM)

# --- scband reference (transcript-rebuilt; emitter-appended) ---
"""Pipeline reference for scband-word-embedding-17420387352928 (READ-ONLY COPY).

The authoritative reference and input builder live on the scoring server;
editing this copy changes nothing except your own understanding.
"""

import jax, jax.numpy as jnp
import numpy as np

N_TOKEN = 1000000
EMB_DIM = 32
BATCH = 4096
SEQ_LEN = 200
PAD_IDX = N_TOKEN  # padding_idx = n_token in WordEmbedding


def setup_inputs(seed: int = 0) -> dict:
    key = jax.random.key(seed)
    k_idx, k_tab = jax.random.split(key)
    indices = jax.random.randint(k_idx, (BATCH, SEQ_LEN), 0, N_TOKEN, dtype=jnp.int32)
    # Embedding table has n_token + 1 rows (last row is padding), random_normal init
    table = jax.random.normal(k_tab, (N_TOKEN + 1, EMB_DIM), dtype=jnp.float32) * 0.05
    return {"input": indices, "table": table}


def reference(input, table):
    # embedding lookup
    embeds = jnp.take(table, input, axis=0)  # [B, L, E]
    # mask out padding positions
    mask = (input != PAD_IDX).astype(jnp.float32)[:, :, None]  # [B, L, 1]
    masked_embeds = embeds * mask
    # dropout is identity at inference time; op='' so no concat branch
    return masked_embeds

if __name__ == "__main__":
    import jax
    _d = setup_inputs()
    print(jax.jit(kernel)(*tuple(_d.values())))

</pallas_src>

<mosaic_0001>
#map = affine_map<(d0, d1) -> (0, 0)>
module attributes {stable_mosaic.version = 14 : i64} {
  func.func @emb_kernel(%arg0: i32, %arg1: i32, %arg2: memref<6400x128xi32, #tpu.memory_space<hbm>>, %arg3: memref<1000001x32xf32, #tpu.memory_space<hbm>>, %arg4: memref<819200x32xf32, #tpu.memory_space<hbm>>, %arg5: memref<200x128xi32, #tpu.memory_space<vmem>>, %arg6: memref<512x32xf32, #tpu.memory_space<vmem>>, %arg7: memref<512x32xf32, #tpu.memory_space<vmem>>, %arg8: memref<512x32xf32, #tpu.memory_space<vmem>>, %arg9: memref<512x32xf32, #tpu.memory_space<vmem>>, %arg10: memref<512x32xf32, #tpu.memory_space<vmem>>, %arg11: memref<!tpu.dma_semaphore, #tpu.memory_space<semaphore_mem>>, %arg12: memref<!tpu.dma_semaphore, #tpu.memory_space<semaphore_mem>>, %arg13: memref<!tpu.dma_semaphore, #tpu.memory_space<semaphore_mem>>, %arg14: memref<!tpu.dma_semaphore, #tpu.memory_space<semaphore_mem>>, %arg15: memref<!tpu.dma_semaphore, #tpu.memory_space<semaphore_mem>>, %arg16: memref<!tpu.dma_semaphore, #tpu.memory_space<semaphore_mem>>, %arg17: memref<!tpu.dma_semaphore, #tpu.memory_space<semaphore_mem>>, %arg18: memref<!tpu.dma_semaphore, #tpu.memory_space<semaphore_mem>>, %arg19: memref<!tpu.dma_semaphore, #tpu.memory_space<semaphore_mem>>, %arg20: memref<!tpu.dma_semaphore, #tpu.memory_space<semaphore_mem>>) attributes {dimension_semantics = [#tpu.dimension_semantics<core_parallel>, #tpu.dimension_semantics<subcore_parallel>], iteration_bounds = array<i64: 2, 16>, scalar_prefetch = 0 : i64, scratch_operands = 16 : i64, tpu.core_type = #tpu.core_type<sc_vector_subcore>, window_params = [{transform_indices = #map}, {transform_indices = #map}, {transform_indices = #map}]} {
    %mul3A = arith.constant 2 : i32
    %mul3A_0 = arith.muli %arg1, %mul3A : i32
    %add3A = arith.addi %mul3A_0, %arg0 : i32
    %mul3A_1 = arith.constant 200 : i32
    %mul3A_2 = arith.muli %add3A, %mul3A_1 : i32
    "tpu.region"() ({
      %run_scoped3A = tpu.sem_alloc : memref<!tpu.dma_semaphore, #tpu.memory_space<semaphore_mem>>
      %dma_start3A_209 = arith.constant 0 : i32
      %dma_start3A_210 = tpu.memref_slice %arg2[%mul3A_2, %dma_start3A_209] : memref<6400x128xi32, #tpu.memory_space<hbm>> -> memref<200x128xi32, #tpu.memory_space<hbm>>
      %dma_start3A_211 = arith.constant 0 : i32
      %dma_start3A_212 = tpu.memref_slice %arg2[%mul3A_2, %dma_start3A_211] : memref<6400x128xi32, #tpu.memory_space<hbm>> -> memref<200x128xi32, #tpu.memory_space<hbm>>
      tpu.enqueue_dma source(%dma_start3A_212 : memref<200x128xi32, #tpu.memory_space<hbm>>) target(%arg5 : memref<200x128xi32, #tpu.memory_space<vmem>>) target_semaphore(%run_scoped3A : memref<!tpu.dma_semaphore, #tpu.memory_space<semaphore_mem>>)
      %dma_wait3A = arith.constant 0 : i32
      %dma_wait3A_213 = tpu.memref_slice %arg2[%mul3A_2, %dma_wait3A] : memref<6400x128xi32, #tpu.memory_space<hbm>> -> memref<200x128xi32, #tpu.memory_space<hbm>>
      %dma_wait3A_214 = arith.constant 0 : i32
      %dma_wait3A_215 = tpu.memref_slice %arg2[%mul3A_2, %dma_wait3A_214] : memref<6400x128xi32, #tpu.memory_space<hbm>> -> memref<200x128xi32, #tpu.memory_space<hbm>>
      tpu.wait_dma2 semaphore(%run_scoped3A : memref<!tpu.dma_semaphore, #tpu.memory_space<semaphore_mem>>) src(%dma_wait3A_215 : memref<200x128xi32, #tpu.memory_space<hbm>>) dst(%arg5 : memref<200x128xi32, #tpu.memory_space<vmem>>)
      tpu.yield
    }) : () -> ()
    %mul3A_3 = arith.constant 25600 : i32
    %mul3A_4 = arith.muli %add3A, %mul3A_3 : i32
    %dma_start3A = arith.constant 0 : i32
    %dma_start3A_5 = arith.constant 0 : i32
    %dma_start3A_6 = arith.constant 0 : i32
    %dma_start3A_7 = tpu.memref_slice %arg6[%dma_start3A_5, %dma_start3A_6] : memref<512x32xf32, #tpu.memory_space<vmem>> -> memref<128x32xf32, #tpu.memory_space<vmem>>
    %dma_start3A_8 = arith.constant 0 : i32
    %dma_start3A_9 = tpu.memref_slice %arg5[%dma_start3A, %dma_start3A_8] : memref<200x128xi32, #tpu.memory_space<vmem>> -> memref<1x128xi32, #tpu.memory_space<vmem>>
    %dma_start3A_10 = tpu.memref_squeeze %dma_start3A_9 : memref<1x128xi32, #tpu.memory_space<vmem>> -> memref<128xi32, #tpu.memory_space<vmem>>
    %dma_start3A_11 = arith.constant 0 : i32
    %dma_start3A_12 = arith.constant 0 : i32
    %dma_start3A_13 = tpu.memref_slice %arg3[%dma_start3A_11, %dma_start3A_12] : memref<1000001x32xf32, #tpu.memory_space<hbm>> -> memref<1000001x32xf32, #tpu.memory_space<hbm>>
    tpu.enqueue_indirect_dma source(%dma_start3A_13 : memref<1000001x32xf32, #tpu.memory_space<hbm>>) target(%dma_start3A_7 : memref<128x32xf32, #tpu.memory_space<vmem>>) offsets(%dma_start3A_10 : memref<128xi32, #tpu.memory_space<vmem>>) semaphore(%arg11 : memref<!tpu.dma_semaphore, #tpu.memory_space<semaphore_mem>>)
    %dma_start3A_14 = arith.constant 1 : i32
    %dma_start3A_15 = arith.constant 128 : i32
    %dma_start3A_16 = arith.constant 0 : i32
    %dma_start3A_17 = tpu.memref_slice %arg6[%dma_start3A_15, %dma_start3A_16] : memref<512x32xf32, #tpu.memory_space<vmem>> -> memref<128x32xf32, #tpu.memory_space<vmem>>
    %dma_start3A_18 = arith.constant 0 : i32
    %dma_start3A_19 = tpu.memref_slice %arg5[%dma_start3A_14, %dma_start3A_18] : memref<200x128xi32, #tpu.memory_space<vmem>> -> memref<1x128xi32, #tpu.memory_space<vmem>>
    %dma_start3A_20 = tpu.memref_squeeze %dma_start3A_19 : memref<1x128xi32, #tpu.memory_space<vmem>> -> memref<128xi32, #tpu.memory_space<vmem>>
    %dma_start3A_21 = arith.constant 0 : i32
    %dma_start3A_22 = arith.constant 0 : i32
    %dma_start3A_23 = tpu.memref_slice %arg3[%dma_start3A_21, %dma_start3A_22] : memref<1000001x32xf32, #tpu.memory_space<hbm>> -> memref<1000001x32xf32, #tpu.memory_space<hbm>>
    tpu.enqueue_indirect_dma source(%dma_start3A_23 : memref<1000001x32xf32, #tpu.memory_space<hbm>>) target(%dma_start3A_17 : memref<128x32xf32, #tpu.memory_space<vmem>>) offsets(%dma_start3A_20 : memref<128xi32, #tpu.memory_space<vmem>>) semaphore(%arg11 : memref<!tpu.dma_semaphore, #tpu.memory_space<semaphore_mem>>)
    %dma_start3A_24 = arith.constant 2 : i32
    %dma_start3A_25 = arith.constant 256 : i32
    %dma_start3A_26 = arith.constant 0 : i32
    %dma_start3A_27 = tpu.memref_slice %arg6[%dma_start3A_25, %dma_start3A_26] : memref<512x32xf32, #tpu.memory_space<vmem>> -> memref<128x32xf32, #tpu.memory_space<vmem>>
    %dma_start3A_28 = arith.constant 0 : i32
    %dma_start3A_29 = tpu.memref_slice %arg5[%dma_start3A_24, %dma_start3A_28] : memref<200x128xi32, #tpu.memory_space<vmem>> -> memref<1x128xi32, #tpu.memory_space<vmem>>
    %dma_start3A_30 = tpu.memref_squeeze %dma_start3A_29 : memref<1x128xi32, #tpu.memory_space<vmem>> -> memref<128xi32, #tpu.memory_space<vmem>>
    %dma_start3A_31 = arith.constant 0 : i32
    %dma_start3A_32 = arith.constant 0 : i32
    %dma_start3A_33 = tpu.memref_slice %arg3[%dma_start3A_31, %dma_start3A_32] : memref<1000001x32xf32, #tpu.memory_space<hbm>> -> memref<1000001x32xf32, #tpu.memory_space<hbm>>
    tpu.enqueue_indirect_dma source(%dma_start3A_33 : memref<1000001x32xf32, #tpu.memory_space<hbm>>) target(%dma_start3A_27 : memref<128x32xf32, #tpu.memory_space<vmem>>) offsets(%dma_start3A_30 : memref<128xi32, #tpu.memory_space<vmem>>) semaphore(%arg11 : memref<!tpu.dma_semaphore, #tpu.memory_space<semaphore_mem>>)
    %dma_start3A_34 = arith.constant 3 : i32
    %dma_start3A_35 = arith.constant 384 : i32
    %dma_start3A_36 = arith.constant 0 : i32
    %dma_start3A_37 = tpu.memref_slice %arg6[%dma_start3A_35, %dma_start3A_36] : memref<512x32xf32, #tpu.memory_space<vmem>> -> memref<128x32xf32, #tpu.memory_space<vmem>>
    %dma_start3A_38 = arith.constant 0 : i32
    %dma_start3A_39 = tpu.memref_slice %arg5[%dma_start3A_34, %dma_start3A_38] : memref<200x128xi32, #tpu.memory_space<vmem>> -> memref<1x128xi32, #tpu.memory_space<vmem>>
    %dma_start3A_40 = tpu.memref_squeeze %dma_start3A_39 : memref<1x128xi32, #tpu.memory_space<vmem>> -> memref<128xi32, #tpu.memory_space<vmem>>
    %dma_start3A_41 = arith.constant 0 : i32
    %dma_start3A_42 = arith.constant 0 : i32
    %dma_start3A_43 = tpu.memref_slice %arg3[%dma_start3A_41, %dma_start3A_42] : memref<1000001x32xf32, #tpu.memory_space<hbm>> -> memref<1000001x32xf32, #tpu.memory_space<hbm>>
    tpu.enqueue_indirect_dma source(%dma_start3A_43 : memref<1000001x32xf32, #tpu.memory_space<hbm>>) target(%dma_start3A_37 : memref<128x32xf32, #tpu.memory_space<vmem>>) offsets(%dma_start3A_40 : memref<128xi32, #tpu.memory_space<vmem>>) semaphore(%arg11 : memref<!tpu.dma_semaphore, #tpu.memory_space<semaphore_mem>>)
    %dma_start3A_44 = arith.constant 4 : i32
    %dma_start3A_45 = arith.constant 0 : i32
    %dma_start3A_46 = arith.constant 0 : i32
    %dma_start3A_47 = tpu.memref_slice %arg7[%dma_start3A_45, %dma_start3A_46] : memref<512x32xf32, #tpu.memory_space<vmem>> -> memref<128x32xf32, #tpu.memory_space<vmem>>
    %dma_start3A_48 = arith.constant 0 : i32
    %dma_start3A_49 = tpu.memref_slice %arg5[%dma_start3A_44, %dma_start3A_48] : memref<200x128xi32, #tpu.memory_space<vmem>> -> memref<1x128xi32, #tpu.memory_space<vmem>>
    %dma_start3A_50 = tpu.memref_squeeze %dma_start3A_49 : memref<1x128xi32, #tpu.memory_space<vmem>> -> memref<128xi32, #tpu.memory_space<vmem>>
    %dma_start3A_51 = arith.constant 0 : i32
    %dma_start3A_52 = arith.constant 0 : i32
    %dma_start3A_53 = tpu.memref_slice %arg3[%dma_start3A_51, %dma_start3A_52] : memref<1000001x32xf32, #tpu.memory_space<hbm>> -> memref<1000001x32xf32, #tpu.memory_space<hbm>>
    tpu.enqueue_indirect_dma source(%dma_start3A_53 : memref<1000001x32xf32, #tpu.memory_space<hbm>>) target(%dma_start3A_47 : memref<128x32xf32, #tpu.memory_space<vmem>>) offsets(%dma_start3A_50 : memref<128xi32, #tpu.memory_space<vmem>>) semaphore(%arg12 : memref<!tpu.dma_semaphore, #tpu.memory_space<semaphore_mem>>)
    %dma_start3A_54 = arith.constant 5 : i32
    %dma_start3A_55 = arith.constant 128 : i32
    %dma_start3A_56 = arith.constant 0 : i32
    %dma_start3A_57 = tpu.memref_slice %arg7[%dma_start3A_55, %dma_start3A_56] : memref<512x32xf32, #tpu.memory_space<vmem>> -> memref<128x32xf32, #tpu.memory_space<vmem>>
    %dma_start3A_58 = arith.constant 0 : i32
    %dma_start3A_59 = tpu.memref_slice %arg5[%dma_start3A_54, %dma_start3A_58] : memref<200x128xi32, #tpu.memory_space<vmem>> -> memref<1x128xi32, #tpu.memory_space<vmem>>
    %dma_start3A_60 = tpu.memref_squeeze %dma_start3A_59 : memref<1x128xi32, #tpu.memory_space<vmem>> -> memref<128xi32, #tpu.memory_space<vmem>>
    %dma_start3A_61 = arith.constant 0 : i32
    %dma_start3A_62 = arith.constant 0 : i32
    %dma_start3A_63 = tpu.memref_slice %arg3[%dma_start3A_61, %dma_start3A_62] : memref<1000001x32xf32, #tpu.memory_space<hbm>> -> memref<1000001x32xf32, #tpu.memory_space<hbm>>
    tpu.enqueue_indirect_dma source(%dma_start3A_63 : memref<1000001x32xf32, #tpu.memory_space<hbm>>) target(%dma_start3A_57 : memref<128x32xf32, #tpu.memory_space<vmem>>) offsets(%dma_start3A_60 : memref<128xi32, #tpu.memory_space<vmem>>) semaphore(%arg12 : memref<!tpu.dma_semaphore, #tpu.memory_space<semaphore_mem>>)
    %dma_start3A_64 = arith.constant 6 : i32
    %dma_start3A_65 = arith.constant 256 : i32
    %dma_start3A_66 = arith.constant 0 : i32
    %dma_start3A_67 = tpu.memref_slice %arg7[%dma_start3A_65, %dma_start3A_66] : memref<512x32xf32, #tpu.memory_space<vmem>> -> memref<128x32xf32, #tpu.memory_space<vmem>>
    %dma_start3A_68 = arith.constant 0 : i32
    %dma_start3A_69 = tpu.memref_slice %arg5[%dma_start3A_64, %dma_start3A_68] : memref<200x128xi32, #tpu.memory_space<vmem>> -> memref<1x128xi32, #tpu.memory_space<vmem>>
    %dma_start3A_70 = tpu.memref_squeeze %dma_start3A_69 : memref<1x128xi32, #tpu.memory_space<vmem>> -> memref<128xi32, #tpu.memory_space<vmem>>
    %dma_start3A_71 = arith.constant 0 : i32
    %dma_start3A_72 = arith.constant 0 : i32
    %dma_start3A_73 = tpu.memref_slice %arg3[%dma_start3A_71, %dma_start3A_72] : memref<1000001x32xf32, #tpu.memory_space<hbm>> -> memref<1000001x32xf32, #tpu.memory_space<hbm>>
    tpu.enqueue_indirect_dma source(%dma_start3A_73 : memref<1000001x32xf32, #tpu.memory_space<hbm>>) target(%dma_start3A_67 : memref<128x32xf32, #tpu.memory_space<vmem>>) offsets(%dma_start3A_70 : memref<128xi32, #tpu.memory_space<vmem>>) semaphore(%arg12 : memref<!tpu.dma_semaphore, #tpu.memory_space<semaphore_mem>>)
    %dma_start3A_74 = arith.constant 7 : i32
    %dma_start3A_75 = arith.constant 384 : i32
    %dma_start3A_76 = arith.constant 0 : i32
    %dma_start3A_77 = tpu.memref_slice %arg7[%dma_start3A_75, %dma_start3A_76] : memref<512x32xf32, #tpu.memory_space<vmem>> -> memref<128x32xf32, #tpu.memory_space<vmem>>
    %dma_start3A_78 = arith.constant 0 : i32
    %dma_start3A_79 = tpu.memref_slice %arg5[%dma_start3A_74, %dma_start3A_78] : memref<200x128xi32, #tpu.memory_space<vmem>> -> memref<1x128xi32, #tpu.memory_space<vmem>>
    %dma_start3A_80 = tpu.memref_squeeze %dma_start3A_79 : memref<1x128xi32, #tpu.memory_space<vmem>> -> memref<128xi32, #tpu.memory_space<vmem>>
    %dma_start3A_81 = arith.constant 0 : i32
    %dma_start3A_82 = arith.constant 0 : i32
    %dma_start3A_83 = tpu.memref_slice %arg3[%dma_start3A_81, %dma_start3A_82] : memref<1000001x32xf32, #tpu.memory_space<hbm>> -> memref<1000001x32xf32, #tpu.memory_space<hbm>>
    tpu.enqueue_indirect_dma source(%dma_start3A_83 : memref<1000001x32xf32, #tpu.memory_space<hbm>>) target(%dma_start3A_77 : memref<128x32xf32, #tpu.memory_space<vmem>>) offsets(%dma_start3A_80 : memref<128xi32, #tpu.memory_space<vmem>>) semaphore(%arg12 : memref<!tpu.dma_semaphore, #tpu.memory_space<semaphore_mem>>)
    %dma_start3A_84 = arith.constant 8 : i32
    %dma_start3A_85 = arith.constant 0 : i32
    %dma_start3A_86 = arith.constant 0 : i32
    %dma_start3A_87 = tpu.memref_slice %arg8[%dma_start3A_85, %dma_start3A_86] : memref<512x32xf32, #tpu.memory_space<vmem>> -> memref<128x32xf32, #tpu.memory_space<vmem>>
    %dma_start3A_88 = arith.constant 0 : i32
    %dma_start3A_89 = tpu.memref_slice %arg5[%dma_start3A_84, %dma_start3A_88] : memref<200x128xi32, #tpu.memory_space<vmem>> -> memref<1x128xi32, #tpu.memory_space<vmem>>
    %dma_start3A_90 = tpu.memref_squeeze %dma_start3A_89 : memref<1x128xi32, #tpu.memory_space<vmem>> -> memref<128xi32, #tpu.memory_space<vmem>>
    %dma_start3A_91 = arith.constant 0 : i32
    %dma_start3A_92 = arith.constant 0 : i32
    %dma_start3A_93 = tpu.memref_slice %arg3[%dma_start3A_91, %dma_start3A_92] : memref<1000001x32xf32, #tpu.memory_space<hbm>> -> memref<1000001x32xf32, #tpu.memory_space<hbm>>
    tpu.enqueue_indirect_dma source(%dma_start3A_93 : memref<1000001x32xf32, #tpu.memory_space<hbm>>) target(%dma_start3A_87 : memref<128x32xf32, #tpu.memory_space<vmem>>) offsets(%dma_start3A_90 : memref<128xi32, #tpu.memory_space<vmem>>) semaphore(%arg13 : memref<!tpu.dma_semaphore, #tpu.memory_space<semaphore_mem>>)
    %dma_start3A_94 = arith.constant 9 : i32
    %dma_start3A_95 = arith.constant 128 : i32
    %dma_start3A_96 = arith.constant 0 : i32
    %dma_start3A_97 = tpu.memref_slice %arg8[%dma_start3A_95, %dma_start3A_96] : memref<512x32xf32, #tpu.memory_space<vmem>> -> memref<128x32xf32, #tpu.memory_space<vmem>>
    %dma_start3A_98 = arith.constant 0 : i32
    %dma_start3A_99 = tpu.memref_slice %arg5[%dma_start3A_94, %dma_start3A_98] : memref<200x128xi32, #tpu.memory_space<vmem>> -> memref<1x128xi32, #tpu.memory_space<vmem>>
    %dma_start3A_100 = tpu.memref_squeeze %dma_start3A_99 : memref<1x128xi32, #tpu.memory_space<vmem>> -> memref<128xi32, #tpu.memory_space<vmem>>
    %dma_start3A_101 = arith.constant 0 : i32
    %dma_start3A_102 = arith.constant 0 : i32
    %dma_start3A_103 = tpu.memref_slice %arg3[%dma_start3A_101, %dma_start3A_102] : memref<1000001x32xf32, #tpu.memory_space<hbm>> -> memref<1000001x32xf32, #tpu.memory_space<hbm>>
    tpu.enqueue_indirect_dma source(%dma_start3A_103 : memref<1000001x32xf32, #tpu.memory_space<hbm>>) target(%dma_start3A_97 : memref<128x32xf32, #tpu.memory_space<vmem>>) offsets(%dma_start3A_100 : memref<128xi32, #tpu.memory_space<vmem>>) semaphore(%arg13 : memref<!tpu.dma_semaphore, #tpu.memory_space<semaphore_mem>>)
    %dma_start3A_104 = arith.constant 10 : i32
    %dma_start3A_105 = arith.constant 256 : i32
    %dma_start3A_106 = arith.constant 0 : i32
    %dma_start3A_107 = tpu.memref_slice %arg8[%dma_start3A_105, %dma_start3A_106] : memref<512x32xf32, #tpu.memory_space<vmem>> -> memref<128x32xf32, #tpu.memory_space<vmem>>
    %dma_start3A_108 = arith.constant 0 : i32
    %dma_start3A_109 = tpu.memref_slice %arg5[%dma_start3A_104, %dma_start3A_108] : memref<200x128xi32, #tpu.memory_space<vmem>> -> memref<1x128xi32, #tpu.memory_space<vmem>>
    %dma_start3A_110 = tpu.memref_squeeze %dma_start3A_109 : memref<1x128xi32, #tpu.memory_space<vmem>> -> memref<128xi32, #tpu.memory_space<vmem>>
    %dma_start3A_111 = arith.constant 0 : i32
    %dma_start3A_112 = arith.constant 0 : i32
    %dma_start3A_113 = tpu.memref_slice %arg3[%dma_start3A_111, %dma_start3A_112] : memref<1000001x32xf32, #tpu.memory_space<hbm>> -> memref<1000001x32xf32, #tpu.memory_space<hbm>>
    tpu.enqueue_indirect_dma source(%dma_start3A_113 : memref<1000001x32xf32, #tpu.memory_space<hbm>>) target(%dma_start3A_107 : memref<128x32xf32, #tpu.memory_space<vmem>>) offsets(%dma_start3A_110 : memref<128xi32, #tpu.memory_space<vmem>>) semaphore(%arg13 : memref<!tpu.dma_semaphore, #tpu.memory_space<semaphore_mem>>)
    %dma_start3A_114 = arith.constant 11 : i32
    %dma_start3A_115 = arith.constant 384 : i32
    %dma_start3A_116 = arith.constant 0 : i32
    %dma_start3A_117 = tpu.memref_slice %arg8[%dma_start3A_115, %dma_start3A_116] : memref<512x32xf32, #tpu.memory_space<vmem>> -> memref<128x32xf32, #tpu.memory_space<vmem>>
    %dma_start3A_118 = arith.constant 0 : i32
    %dma_start3A_119 = tpu.memref_slice %arg5[%dma_start3A_114, %dma_start3A_118] : memref<200x128xi32, #tpu.memory_space<vmem>> -> memref<1x128xi32, #tpu.memory_space<vmem>>
    %dma_start3A_120 = tpu.memref_squeeze %dma_start3A_119 : memref<1x128xi32, #tpu.memory_space<vmem>> -> memref<128xi32, #tpu.memory_space<vmem>>
    %dma_start3A_121 = arith.constant 0 : i32
    %dma_start3A_122 = arith.constant 0 : i32
    %dma_start3A_123 = tpu.memref_slice %arg3[%dma_start3A_121, %dma_start3A_122] : memref<1000001x32xf32, #tpu.memory_space<hbm>> -> memref<1000001x32xf32, #tpu.memory_space<hbm>>
    tpu.enqueue_indirect_dma source(%dma_start3A_123 : memref<1000001x32xf32, #tpu.memory_space<hbm>>) target(%dma_start3A_117 : memref<128x32xf32, #tpu.memory_space<vmem>>) offsets(%dma_start3A_120 : memref<128xi32, #tpu.memory_space<vmem>>) semaphore(%arg13 : memref<!tpu.dma_semaphore, #tpu.memory_space<semaphore_mem>>)
    %dma_start3A_124 = arith.constant 12 : i32
    %dma_start3A_125 = arith.constant 0 : i32
    %dma_start3A_126 = arith.constant 0 : i32
    %dma_start3A_127 = tpu.memref_slice %arg9[%dma_start3A_125, %dma_start3A_126] : memref<512x32xf32, #tpu.memory_space<vmem>> -> memref<128x32xf32, #tpu.memory_space<vmem>>
    %dma_start3A_128 = arith.constant 0 : i32
    %dma_start3A_129 = tpu.memref_slice %arg5[%dma_start3A_124, %dma_start3A_128] : memref<200x128xi32, #tpu.memory_space<vmem>> -> memref<1x128xi32, #tpu.memory_space<vmem>>
    %dma_start3A_130 = tpu.memref_squeeze %dma_start3A_129 : memref<1x128xi32, #tpu.memory_space<vmem>> -> memref<128xi32, #tpu.memory_space<vmem>>
    %dma_start3A_131 = arith.constant 0 : i32
    %dma_start3A_132 = arith.constant 0 : i32
    %dma_start3A_133 = tpu.memref_slice %arg3[%dma_start3A_131, %dma_start3A_132] : memref<1000001x32xf32, #tpu.memory_space<hbm>> -> memref<1000001x32xf32, #tpu.memory_space<hbm>>
    tpu.enqueue_indirect_dma source(%dma_start3A_133 : memref<1000001x32xf32, #tpu.memory_space<hbm>>) target(%dma_start3A_127 : memref<128x32xf32, #tpu.memory_space<vmem>>) offsets(%dma_start3A_130 : memref<128xi32, #tpu.memory_space<vmem>>) semaphore(%arg14 : memref<!tpu.dma_semaphore, #tpu.memory_space<semaphore_mem>>)
    %dma_start3A_134 = arith.constant 13 : i32
    %dma_start3A_135 = arith.constant 128 : i32
    %dma_start3A_136 = arith.constant 0 : i32
    %dma_start3A_137 = tpu.memref_slice %arg9[%dma_start3A_135, %dma_start3A_136] : memref<512x32xf32, #tpu.memory_space<vmem>> -> memref<128x32xf32, #tpu.memory_space<vmem>>
    %dma_start3A_138 = arith.constant 0 : i32
    %dma_start3A_139 = tpu.memref_slice %arg5[%dma_start3A_134, %dma_start3A_138] : memref<200x128xi32, #tpu.memory_space<vmem>> -> memref<1x128xi32, #tpu.memory_space<vmem>>
    %dma_start3A_140 = tpu.memref_squeeze %dma_start3A_139 : memref<1x128xi32, #tpu.memory_space<vmem>> -> memref<128xi32, #tpu.memory_space<vmem>>
    %dma_start3A_141 = arith.constant 0 : i32
    %dma_start3A_142 = arith.constant 0 : i32
    %dma_start3A_143 = tpu.memref_slice %arg3[%dma_start3A_141, %dma_start3A_142] : memref<1000001x32xf32, #tpu.memory_space<hbm>> -> memref<1000001x32xf32, #tpu.memory_space<hbm>>
    tpu.enqueue_indirect_dma source(%dma_start3A_143 : memref<1000001x32xf32, #tpu.memory_space<hbm>>) target(%dma_start3A_137 : memref<128x32xf32, #tpu.memory_space<vmem>>) offsets(%dma_start3A_140 : memref<128xi32, #tpu.memory_space<vmem>>) semaphore(%arg14 : memref<!tpu.dma_semaphore, #tpu.memory_space<semaphore_mem>>)
    %dma_start3A_144 = arith.constant 14 : i32
    %dma_start3A_145 = arith.constant 256 : i32
    %dma_start3A_146 = arith.constant 0 : i32
    %dma_start3A_147 = tpu.memref_slice %arg9[%dma_start3A_145, %dma_start3A_146] : memref<512x32xf32, #tpu.memory_space<vmem>> -> memref<128x32xf32, #tpu.memory_space<vmem>>
    %dma_start3A_148 = arith.constant 0 : i32
    %dma_start3A_149 = tpu.memref_slice %arg5[%dma_start3A_144, %dma_start3A_148] : memref<200x128xi32, #tpu.memory_space<vmem>> -> memref<1x128xi32, #tpu.memory_space<vmem>>
    %dma_start3A_150 = tpu.memref_squeeze %dma_start3A_149 : memref<1x128xi32, #tpu.memory_space<vmem>> -> memref<128xi32, #tpu.memory_space<vmem>>
    %dma_start3A_151 = arith.constant 0 : i32
    %dma_start3A_152 = arith.constant 0 : i32
    %dma_start3A_153 = tpu.memref_slice %arg3[%dma_start3A_151, %dma_start3A_152] : memref<1000001x32xf32, #tpu.memory_space<hbm>> -> memref<1000001x32xf32, #tpu.memory_space<hbm>>
    tpu.enqueue_indirect_dma source(%dma_start3A_153 : memref<1000001x32xf32, #tpu.memory_space<hbm>>) target(%dma_start3A_147 : memref<128x32xf32, #tpu.memory_space<vmem>>) offsets(%dma_start3A_150 : memref<128xi32, #tpu.memory_space<vmem>>) semaphore(%arg14 : memref<!tpu.dma_semaphore, #tpu.memory_space<semaphore_mem>>)
    %dma_start3A_154 = arith.constant 15 : i32
    %dma_start3A_155 = arith.constant 384 : i32
    %dma_start3A_156 = arith.constant 0 : i32
    %dma_start3A_157 = tpu.memref_slice %arg9[%dma_start3A_155, %dma_start3A_156] : memref<512x32xf32, #tpu.memory_space<vmem>> -> memref<128x32xf32, #tpu.memory_space<vmem>>
    %dma_start3A_158 = arith.constant 0 : i32
    %dma_start3A_159 = tpu.memref_slice %arg5[%dma_start3A_154, %dma_start3A_158] : memref<200x128xi32, #tpu.memory_space<vmem>> -> memref<1x128xi32, #tpu.memory_space<vmem>>
    %dma_start3A_160 = tpu.memref_squeeze %dma_start3A_159 : memref<1x128xi32, #tpu.memory_space<vmem>> -> memref<128xi32, #tpu.memory_space<vmem>>
    %dma_start3A_161 = arith.constant 0 : i32
    %dma_start3A_162 = arith.constant 0 : i32
    %dma_start3A_163 = tpu.memref_slice %arg3[%dma_start3A_161, %dma_start3A_162] : memref<1000001x32xf32, #tpu.memory_space<hbm>> -> memref<1000001x32xf32, #tpu.memory_space<hbm>>
    tpu.enqueue_indirect_dma source(%dma_start3A_163 : memref<1000001x32xf32, #tpu.memory_space<hbm>>) target(%dma_start3A_157 : memref<128x32xf32, #tpu.memory_space<vmem>>) offsets(%dma_start3A_160 : memref<128xi32, #tpu.memory_space<vmem>>) semaphore(%arg14 : memref<!tpu.dma_semaphore, #tpu.memory_space<semaphore_mem>>)
    %dma_start3A_164 = arith.constant 16 : i32
    %dma_start3A_165 = arith.constant 0 : i32
    %dma_start3A_166 = arith.constant 0 : i32
    %dma_start3A_167 = tpu.memref_slice %arg10[%dma_start3A_165, %dma_start3A_166] : memref<512x32xf32, #tpu.memory_space<vmem>> -> memref<128x32xf32, #tpu.memory_space<vmem>>
    %dma_start3A_168 = arith.constant 0 : i32
    %dma_start3A_169 = tpu.memref_slice %arg5[%dma_start3A_164, %dma_start3A_168] : memref<200x128xi32, #tpu.memory_space<vmem>> -> memref<1x128xi32, #tpu.memory_space<vmem>>
    %dma_start3A_170 = tpu.memref_squeeze %dma_start3A_169 : memref<1x128xi32, #tpu.memory_space<vmem>> -> memref<128xi32, #tpu.memory_space<vmem>>
    %dma_start3A_171 = arith.constant 0 : i32
    %dma_start3A_172 = arith.constant 0 : i32
    %dma_start3A_173 = tpu.memref_slice %arg3[%dma_start3A_171, %dma_start3A_172] : memref<1000001x32xf32, #tpu.memory_space<hbm>> -> memref<1000001x32xf32, #tpu.memory_space<hbm>>
    tpu.enqueue_indirect_dma source(%dma_start3A_173 : memref<1000001x32xf32, #tpu.memory_space<hbm>>) target(%dma_start3A_167 : memref<128x32xf32, #tpu.memory_space<vmem>>) offsets(%dma_start3A_170 : memref<128xi32, #tpu.memory_space<vmem>>) semaphore(%arg15 : memref<!tpu.dma_semaphore, #tpu.memory_space<semaphore_mem>>)
    %dma_start3A_174 = arith.constant 17 : i32
    %dma_start3A_175 = arith.constant 128 : i32
    %dma_start3A_176 = arith.constant 0 : i32
    %dma_start3A_177 = tpu.memref_slice %arg10[%dma_start3A_175, %dma_start3A_176] : memref<512x32xf32, #tpu.memory_space<vmem>> -> memref<128x32xf32, #tpu.memory_space<vmem>>
    %dma_start3A_178 = arith.constant 0 : i32
    %dma_start3A_179 = tpu.memref_slice %arg5[%dma_start3A_174, %dma_start3A_178] : memref<200x128xi32, #tpu.memory_space<vmem>> -> memref<1x128xi32, #tpu.memory_space<vmem>>
    %dma_start3A_180 = tpu.memref_squeeze %dma_start3A_179 : memref<1x128xi32, #tpu.memory_space<vmem>> -> memref<128xi32, #tpu.memory_space<vmem>>
    %dma_start3A_181 = arith.constant 0 : i32
    %dma_start3A_182 = arith.constant 0 : i32
    %dma_start3A_183 = tpu.memref_slice %arg3[%dma_start3A_181, %dma_start3A_182] : memref<1000001x32xf32, #tpu.memory_space<hbm>> -> memref<1000001x32xf32, #tpu.memory_space<hbm>>
    tpu.enqueue_indirect_dma source(%dma_start3A_183 : memref<1000001x32xf32, #tpu.memory_space<hbm>>) target(%dma_start3A_177 : memref<128x32xf32, #tpu.memory_space<vmem>>) offsets(%dma_start3A_180 : memref<128xi32, #tpu.memory_space<vmem>>) semaphore(%arg15 : memref<!tpu.dma_semaphore, #tpu.memory_space<semaphore_mem>>)
    %dma_start3A_184 = arith.constant 18 : i32
    %dma_start3A_185 = arith.constant 256 : i32
    %dma_start3A_186 = arith.constant 0 : i32
    %dma_start3A_187 = tpu.memref_slice %arg10[%dma_start3A_185, %dma_start3A_186] : memref<512x32xf32, #tpu.memory_space<vmem>> -> memref<128x32xf32, #tpu.memory_space<vmem>>
    %dma_start3A_188 = arith.constant 0 : i32
    %dma_start3A_189 = tpu.memref_slice %arg5[%dma_start3A_184, %dma_start3A_188] : memref<200x128xi32, #tpu.memory_space<vmem>> -> memref<1x128xi32, #tpu.memory_space<vmem>>
    %dma_start3A_190 = tpu.memref_squeeze %dma_start3A_189 : memref<1x128xi32, #tpu.memory_space<vmem>> -> memref<128xi32, #tpu.memory_space<vmem>>
    %dma_start3A_191 = arith.constant 0 : i32
    %dma_start3A_192 = arith.constant 0 : i32
    %dma_start3A_193 = tpu.memref_slice %arg3[%dma_start3A_191, %dma_start3A_192] : memref<1000001x32xf32, #tpu.memory_space<hbm>> -> memref<1000001x32xf32, #tpu.memory_space<hbm>>
    tpu.enqueue_indirect_dma source(%dma_start3A_193 : memref<1000001x32xf32, #tpu.memory_space<hbm>>) target(%dma_start3A_187 : memref<128x32xf32, #tpu.memory_space<vmem>>) offsets(%dma_start3A_190 : memref<128xi32, #tpu.memory_space<vmem>>) semaphore(%arg15 : memref<!tpu.dma_semaphore, #tpu.memory_space<semaphore_mem>>)
    %dma_start3A_194 = arith.constant 19 : i32
    %dma_start3A_195 = arith.constant 384 : i32
    %dma_start3A_196 = arith.constant 0 : i32
    %dma_start3A_197 = tpu.memref_slice %arg10[%dma_start3A_195, %dma_start3A_196] : memref<512x32xf32, #tpu.memory_space<vmem>> -> memref<128x32xf32, #tpu.memory_space<vmem>>
    %dma_start3A_198 = arith.constant 0 : i32
    %dma_start3A_199 = tpu.memref_slice %arg5[%dma_start3A_194, %dma_start3A_198] : memref<200x128xi32, #tpu.memory_space<vmem>> -> memref<1x128xi32, #tpu.memory_space<vmem>>
    %dma_start3A_200 = tpu.memref_squeeze %dma_start3A_199 : memref<1x128xi32, #tpu.memory_space<vmem>> -> memref<128xi32, #tpu.memory_space<vmem>>
    %dma_start3A_201 = arith.constant 0 : i32
    %dma_start3A_202 = arith.constant 0 : i32
    %dma_start3A_203 = tpu.memref_slice %arg3[%dma_start3A_201, %dma_start3A_202] : memref<1000001x32xf32, #tpu.memory_space<hbm>> -> memref<1000001x32xf32, #tpu.memory_space<hbm>>
    tpu.enqueue_indirect_dma source(%dma_start3A_203 : memref<1000001x32xf32, #tpu.memory_space<hbm>>) target(%dma_start3A_197 : memref<128x32xf32, #tpu.memory_space<vmem>>) offsets(%dma_start3A_200 : memref<128xi32, #tpu.memory_space<vmem>>) semaphore(%arg15 : memref<!tpu.dma_semaphore, #tpu.memory_space<semaphore_mem>>)
    %scan3A = arith.constant 0 : i32
    %scan3A_204 = arith.constant 0 : i32
    %scan3A_205 = arith.constant 10 : i32
    %scan3A_206 = arith.addi %scan3A_204, %scan3A_205 : i32
    %scan3A_207 = arith.constant 1 : i32
    scf.for %scan3A_209 = %scan3A_204 to %scan3A_206 step %scan3A_207  : i32 {
      %mul3A_210 = arith.constant 5 : i32
      %mul3A_211 = arith.muli %scan3A_209, %mul3A_210 : i32
      %add3A_212 = arith.constant 0 : i32
      %add3A_213 = arith.addi %mul3A_211, %add3A_212 : i32
      %dma_wait3A = arith.constant 0 : i32
      %dma_wait3A_214 = arith.constant 0 : i32
      %dma_wait3A_215 = tpu.memref_slice %arg3[%dma_wait3A, %dma_wait3A_214] : memref<1000001x32xf32, #tpu.memory_space<hbm>> -> memref<512x32xf32, #tpu.memory_space<hbm>>
      %dma_wait3A_216 = arith.constant 0 : i32
      %dma_wait3A_217 = arith.constant 0 : i32
      %dma_wait3A_218 = tpu.memref_slice %arg3[%dma_wait3A_216, %dma_wait3A_217] : memref<1000001x32xf32, #tpu.memory_space<hbm>> -> memref<512x32xf32, #tpu.memory_space<hbm>>
      tpu.wait_dma2 semaphore(%arg11 : memref<!tpu.dma_semaphore, #tpu.memory_space<semaphore_mem>>) src(%dma_wait3A_218 : memref<512x32xf32, #tpu.memory_space<hbm>>) dst(%arg6 : memref<512x32xf32, #tpu.memory_space<vmem>>)
      %mul3A_219 = arith.constant 512 : i32
      %mul3A_220 = arith.muli %add3A_213, %mul3A_219 : i32
      %add3A_221 = arith.addi %mul3A_4, %mul3A_220 : i32
      %dma_start3A_222 = arith.constant 0 : i32
      %dma_start3A_223 = tpu.memref_slice %arg4[%add3A_221, %dma_start3A_222] : memref<819200x32xf32, #tpu.memory_space<hbm>> -> memref<512x32xf32, #tpu.memory_space<hbm>>
      %dma_start3A_224 = arith.constant 0 : i32
      %dma_start3A_225 = tpu.memref_slice %arg4[%add3A_221, %dma_start3A_224] : memref<819200x32xf32, #tpu.memory_space<hbm>> -> memref<512x32xf32, #tpu.memory_space<hbm>>
      tpu.enqueue_dma source(%arg6 : memref<512x32xf32, #tpu.memory_space<vmem>>) target(%dma_start3A_225 : memref<512x32xf32, #tpu.memory_space<hbm>>) target_semaphore(%arg16 : memref<!tpu.dma_semaphore, #tpu.memory_space<semaphore_mem>>)
      %mul3A_226 = arith.constant 5 : i32
      %mul3A_227 = arith.muli %scan3A_209, %mul3A_226 : i32
      %add3A_228 = arith.constant 1 : i32
      %add3A_229 = arith.addi %mul3A_227, %add3A_228 : i32
      %dma_wait3A_230 = arith.constant 0 : i32
      %dma_wait3A_231 = arith.constant 0 : i32
      %dma_wait3A_232 = tpu.memref_slice %arg3[%dma_wait3A_230, %dma_wait3A_231] : memref<1000001x32xf32, #tpu.memory_space<hbm>> -> memref<512x32xf32, #tpu.memory_space<hbm>>
      %dma_wait3A_233 = arith.constant 0 : i32
      %dma_wait3A_234 = arith.constant 0 : i32
      %dma_wait3A_235 = tpu.memref_slice %arg3[%dma_wait3A_233, %dma_wait3A_234] : memref<1000001x32xf32, #tpu.memory_space<hbm>> -> memref<512x32xf32, #tpu.memory_space<hbm>>
      tpu.wait_dma2 semaphore(%arg12 : memref<!tpu.dma_semaphore, #tpu.memory_space<semaphore_mem>>) src(%dma_wait3A_235 : memref<512x32xf32, #tpu.memory_space<hbm>>) dst(%arg7 : memref<512x32xf32, #tpu.memory_space<vmem>>)
      %mul3A_236 = arith.constant 512 : i32
      %mul3A_237 = arith.muli %add3A_229, %mul3A_236 : i32
      %add3A_238 = arith.addi %mul3A_4, %mul3A_237 : i32
      %dma_start3A_239 = arith.constant 0 : i32
      %dma_start3A_240 = tpu.memref_slice %arg4[%add3A_238, %dma_start3A_239] : memref<819200x32xf32, #tpu.memory_space<hbm>> -> memref<512x32xf32, #tpu.memory_space<hbm>>
      %dma_start3A_241 = arith.constant 0 : i32
      %dma_start3A_242 = tpu.memref_slice %arg4[%add3A_238, %dma_start3A_241] : memref<819200x32xf32, #tpu.memory_space<hbm>> -> memref<512x32xf32, #tpu.memory_space<hbm>>
      tpu.enqueue_dma source(%arg7 : memref<512x32xf32, #tpu.memory_space<vmem>>) target(%dma_start3A_242 : memref<512x32xf32, #tpu.memory_space<hbm>>) target_semaphore(%arg17 : memref<!tpu.dma_semaphore, #tpu.memory_space<semaphore_mem>>)
      %mul3A_243 = arith.constant 5 : i32
      %mul3A_244 = arith.muli %scan3A_209, %mul3A_243 : i32
      %add3A_245 = arith.constant 2 : i32
      %add3A_246 = arith.addi %mul3A_244, %add3A_245 : i32
      %dma_wait3A_247 = arith.constant 0 : i32
      %dma_wait3A_248 = arith.constant 0 : i32
      %dma_wait3A_249 = tpu.memref_slice %arg3[%dma_wait3A_247, %dma_wait3A_248] : memref<1000001x32xf32, #tpu.memory_space<hbm>> -> memref<512x32xf32, #tpu.memory_space<hbm>>
      %dma_wait3A_250 = arith.constant 0 : i32
      %dma_wait3A_251 = arith.constant 0 : i32
      %dma_wait3A_252 = tpu.memref_slice %arg3[%dma_wait3A_250, %dma_wait3A_251] : memref<1000001x32xf32, #tpu.memory_space<hbm>> -> memref<512x32xf32, #tpu.memory_space<hbm>>
      tpu.wait_dma2 semaphore(%arg13 : memref<!tpu.dma_semaphore, #tpu.memory_space<semaphore_mem>>) src(%dma_wait3A_252 : memref<512x32xf32, #tpu.memory_space<hbm>>) dst(%arg8 : memref<512x32xf32, #tpu.memory_space<vmem>>)
      %mul3A_253 = arith.constant 512 : i32
      %mul3A_254 = arith.muli %add3A_246, %mul3A_253 : i32
      %add3A_255 = arith.addi %mul3A_4, %mul3A_254 : i32
      %dma_start3A_256 = arith.constant 0 : i32
      %dma_start3A_257 = tpu.memref_slice %arg4[%add3A_255, %dma_start3A_256] : memref<819200x32xf32, #tpu.memory_space<hbm>> -> memref<512x32xf32, #tpu.memory_space<hbm>>
      %dma_start3A_258 = arith.constant 0 : i32
      %dma_start3A_259 = tpu.memref_slice %arg4[%add3A_255, %dma_start3A_258] : memref<819200x32xf32, #tpu.memory_space<hbm>> -> memref<512x32xf32, #tpu.memory_space<hbm>>
      tpu.enqueue_dma source(%arg8 : memref<512x32xf32, #tpu.memory_space<vmem>>) target(%dma_start3A_259 : memref<512x32xf32, #tpu.memory_space<hbm>>) target_semaphore(%arg18 : memref<!tpu.dma_semaphore, #tpu.memory_space<semaphore_mem>>)
      %mul3A_260 = arith.constant 5 : i32
      %mul3A_261 = arith.muli %scan3A_209, %mul3A_260 : i32
      %add3A_262 = arith.constant 3 : i32
      %add3A_263 = arith.addi %mul3A_261, %add3A_262 : i32
      %dma_wait3A_264 = arith.constant 0 : i32
      %dma_wait3A_265 = arith.constant 0 : i32
      %dma_wait3A_266 = tpu.memref_slice %arg3[%dma_wait3A_264, %dma_wait3A_265] : memref<1000001x32xf32, #tpu.memory_space<hbm>> -> memref<512x32xf32, #tpu.memory_space<hbm>>
      %dma_wait3A_267 = arith.constant 0 : i32
      %dma_wait3A_268 = arith.constant 0 : i32
      %dma_wait3A_269 = tpu.memref_slice %arg3[%dma_wait3A_267, %dma_wait3A_268] : memref<1000001x32xf32, #tpu.memory_space<hbm>> -> memref<512x32xf32, #tpu.memory_space<hbm>>
      tpu.wait_dma2 semaphore(%arg14 : memref<!tpu.dma_semaphore, #tpu.memory_space<semaphore_mem>>) src(%dma_wait3A_269 : memref<512x32xf32, #tpu.memory_space<hbm>>) dst(%arg9 : memref<512x32xf32, #tpu.memory_space<vmem>>)
      %mul3A_270 = arith.constant 512 : i32
      %mul3A_271 = arith.muli %add3A_263, %mul3A_270 : i32
      %add3A_272 = arith.addi %mul3A_4, %mul3A_271 : i32
      %dma_start3A_273 = arith.constant 0 : i32
      %dma_start3A_274 = tpu.memref_slice %arg4[%add3A_272, %dma_start3A_273] : memref<819200x32xf32, #tpu.memory_space<hbm>> -> memref<512x32xf32, #tpu.memory_space<hbm>>
      %dma_start3A_275 = arith.constant 0 : i32
      %dma_start3A_276 = tpu.memref_slice %arg4[%add3A_272, %dma_start3A_275] : memref<819200x32xf32, #tpu.memory_space<hbm>> -> memref<512x32xf32, #tpu.memory_space<hbm>>
      tpu.enqueue_dma source(%arg9 : memref<512x32xf32, #tpu.memory_space<vmem>>) target(%dma_start3A_276 : memref<512x32xf32, #tpu.memory_space<hbm>>) target_semaphore(%arg19 : memref<!tpu.dma_semaphore, #tpu.memory_space<semaphore_mem>>)
      %mul3A_277 = arith.constant 5 : i32
      %mul3A_278 = arith.muli %scan3A_209, %mul3A_277 : i32
      %add3A_279 = arith.constant 4 : i32
      %add3A_280 = arith.addi %mul3A_278, %add3A_279 : i32
      %dma_wait3A_281 = arith.constant 0 : i32
      %dma_wait3A_282 = arith.constant 0 : i32
      %dma_wait3A_283 = tpu.memref_slice %arg3[%dma_wait3A_281, %dma_wait3A_282] : memref<1000001x32xf32, #tpu.memory_space<hbm>> -> memref<512x32xf32, #tpu.memory_space<hbm>>
      %dma_wait3A_284 = arith.constant 0 : i32
      %dma_wait3A_285 = arith.constant 0 : i32
      %dma_wait3A_286 = tpu.memref_slice %arg3[%dma_wait3A_284, %dma_wait3A_285] : memref<1000001x32xf32, #tpu.memory_space<hbm>> -> memref<512x32xf32, #tpu.memory_space<hbm>>
      tpu.wait_dma2 semaphore(%arg15 : memref<!tpu.dma_semaphore, #tpu.memory_space<semaphore_mem>>) src(%dma_wait3A_286 : memref<512x32xf32, #tpu.memory_space<hbm>>) dst(%arg10 : memref<512x32xf32, #tpu.memory_space<vmem>>)
      %mul3A_287 = arith.constant 512 : i32
      %mul3A_288 = arith.muli %add3A_280, %mul3A_287 : i32
      %add3A_289 = arith.addi %mul3A_4, %mul3A_288 : i32
      %dma_start3A_290 = arith.constant 0 : i32
      %dma_start3A_291 = tpu.memref_slice %arg4[%add3A_289, %dma_start3A_290] : memref<819200x32xf32, #tpu.memory_space<hbm>> -> memref<512x32xf32, #tpu.memory_space<hbm>>
      %dma_start3A_292 = arith.constant 0 : i32
      %dma_start3A_293 = tpu.memref_slice %arg4[%add3A_289, %dma_start3A_292] : memref<819200x32xf32, #tpu.memory_space<hbm>> -> memref<512x32xf32, #tpu.memory_space<hbm>>
      tpu.enqueue_dma source(%arg10 : memref<512x32xf32, #tpu.memory_space<vmem>>) target(%dma_start3A_293 : memref<512x32xf32, #tpu.memory_space<hbm>>) target_semaphore(%arg20 : memref<!tpu.dma_semaphore, #tpu.memory_space<semaphore_mem>>)
      %mul3A_294 = arith.constant 5 : i32
      %mul3A_295 = arith.muli %scan3A_209, %mul3A_294 : i32
      %add3A_296 = arith.constant 0 : i32
      %add3A_297 = arith.addi %mul3A_295, %add3A_296 : i32
      %dma_wait3A_298 = arith.constant 0 : i32
      %dma_wait3A_299 = tpu.memref_slice %arg4[%mul3A_4, %dma_wait3A_298] : memref<819200x32xf32, #tpu.memory_space<hbm>> -> memref<512x32xf32, #tpu.memory_space<hbm>>
      %dma_wait3A_300 = arith.constant 0 : i32
      %dma_wait3A_301 = tpu.memref_slice %arg4[%mul3A_4, %dma_wait3A_300] : memref<819200x32xf32, #tpu.memory_space<hbm>> -> memref<512x32xf32, #tpu.memory_space<hbm>>
      tpu.wait_dma2 semaphore(%arg16 : memref<!tpu.dma_semaphore, #tpu.memory_space<semaphore_mem>>) src(%arg6 : memref<512x32xf32, #tpu.memory_space<vmem>>) dst(%dma_wait3A_301 : memref<512x32xf32, #tpu.memory_space<hbm>>)
      %add3A_302 = arith.constant 5 : i32
      %add3A_303 = arith.addi %add3A_297, %add3A_302 : i32
      %lt3A = arith.constant 50 : i32
      %lt3A_304 = arith.cmpi slt, %add3A_303, %lt3A : i32
      %convert_element_type3A = arith.extui %lt3A_304 : i1 to i32
      %cond3A = arith.constant 0 : i32
      %cond3A_305 = arith.cmpi ne, %convert_element_type3A, %cond3A : i32
      scf.if %cond3A_305 {
        %add3A_366 = arith.constant 5 : i32
        %add3A_367 = arith.addi %add3A_297, %add3A_366 : i32
        %mul3A_368 = arith.constant 4 : i32
        %mul3A_369 = arith.muli %add3A_367, %mul3A_368 : i32
        %add3A_370 = arith.constant 0 : i32
        %add3A_371 = arith.addi %mul3A_369, %add3A_370 : i32
        %dma_start3A_372 = arith.constant 0 : i32
        %dma_start3A_373 = arith.constant 0 : i32
        %dma_start3A_374 = tpu.memref_slice %arg6[%dma_start3A_372, %dma_start3A_373] : memref<512x32xf32, #tpu.memory_space<vmem>> -> memref<128x32xf32, #tpu.memory_space<vmem>>
        %dma_start3A_375 = arith.constant 0 : i32
        %dma_start3A_376 = tpu.memref_slice %arg5[%add3A_371, %dma_start3A_375] : memref<200x128xi32, #tpu.memory_space<vmem>> -> memref<1x128xi32, #tpu.memory_space<vmem>>
        %dma_start3A_377 = tpu.memref_squeeze %dma_start3A_376 : memref<1x128xi32, #tpu.memory_space<vmem>> -> memref<128xi32, #tpu.memory_space<vmem>>
        %dma_start3A_378 = arith.constant 0 : i32
        %dma_start3A_379 = arith.constant 0 : i32
        %dma_start3A_380 = tpu.memref_slice %arg3[%dma_start3A_378, %dma_start3A_379] : memref<1000001x32xf32, #tpu.memory_space<hbm>> -> memref<1000001x32xf32, #tpu.memory_space<hbm>>
        tpu.enqueue_indirect_dma source(%dma_start3A_380 : memref<1000001x32xf32, #tpu.memory_space<hbm>>) target(%dma_start3A_374 : memref<128x32xf32, #tpu.memory_space<vmem>>) offsets(%dma_start3A_377 : memref<128xi32, #tpu.memory_space<vmem>>) semaphore(%arg11 : memref<!tpu.dma_semaphore, #tpu.memory_space<semaphore_mem>>)
        %mul3A_381 = arith.constant 4 : i32
        %mul3A_382 = arith.muli %add3A_367, %mul3A_381 : i32
        %add3A_383 = arith.constant 1 : i32
        %add3A_384 = arith.addi %mul3A_382, %add3A_383 : i32
        %dma_start3A_385 = arith.constant 128 : i32
        %dma_start3A_386 = arith.constant 0 : i32
        %dma_start3A_387 = tpu.memref_slice %arg6[%dma_start3A_385, %dma_start3A_386] : memref<512x32xf32, #tpu.memory_space<vmem>> -> memref<128x32xf32, #tpu.memory_space<vmem>>
        %dma_start3A_388 = arith.constant 0 : i32
        %dma_start3A_389 = tpu.memref_slice %arg5[%add3A_384, %dma_start3A_388] : memref<200x128xi32, #tpu.memory_space<vmem>> -> memref<1x128xi32, #tpu.memory_space<vmem>>
        %dma_start3A_390 = tpu.memref_squeeze %dma_start3A_389 : memref<1x128xi32, #tpu.memory_space<vmem>> -> memref<128xi32, #tpu.memory_space<vmem>>
        %dma_start3A_391 = arith.constant 0 : i32
        %dma_start3A_392 = arith.constant 0 : i32
        %dma_start3A_393 = tpu.memref_slice %arg3[%dma_start3A_391, %dma_start3A_392] : memref<1000001x32xf32, #tpu.memory_space<hbm>> -> memref<1000001x32xf32, #tpu.memory_space<hbm>>
        tpu.enqueue_indirect_dma source(%dma_start3A_393 : memref<1000001x32xf32, #tpu.memory_space<hbm>>) target(%dma_start3A_387 : memref<128x32xf32, #tpu.memory_space<vmem>>) offsets(%dma_start3A_390 : memref<128xi32, #tpu.memory_space<vmem>>) semaphore(%arg11 : memref<!tpu.dma_semaphore, #tpu.memory_space<semaphore_mem>>)
        %mul3A_394 = arith.constant 4 : i32
        %mul3A_395 = arith.muli %add3A_367, %mul3A_394 : i32
        %add3A_396 = arith.constant 2 : i32
        %add3A_397 = arith.addi %mul3A_395, %add3A_396 : i32
        %dma_start3A_398 = arith.constant 256 : i32
        %dma_start3A_399 = arith.constant 0 : i32
        %dma_start3A_400 = tpu.memref_slice %arg6[%dma_start3A_398, %dma_start3A_399] : memref<512x32xf32, #tpu.memory_space<vmem>> -> memref<128x32xf32, #tpu.memory_space<vmem>>
        %dma_start3A_401 = arith.constant 0 : i32
        %dma_start3A_402 = tpu.memref_slice %arg5[%add3A_397, %dma_start3A_401] : memref<200x128xi32, #tpu.memory_space<vmem>> -> memref<1x128xi32, #tpu.memory_space<vmem>>
        %dma_start3A_403 = tpu.memref_squeeze %dma_start3A_402 : memref<1x128xi32, #tpu.memory_space<vmem>> -> memref<128xi32, #tpu.memory_space<vmem>>
        %dma_start3A_404 = arith.constant 0 : i32
        %dma_start3A_405 = arith.constant 0 : i32
        %dma_start3A_406 = tpu.memref_slice %arg3[%dma_start3A_404, %dma_start3A_405] : memref<1000001x32xf32, #tpu.memory_space<hbm>> -> memref<1000001x32xf32, #tpu.memory_space<hbm>>
        tpu.enqueue_indirect_dma source(%dma_start3A_406 : memref<1000001x32xf32, #tpu.memory_space<hbm>>) target(%dma_start3A_400 : memref<128x32xf32, #tpu.memory_space<vmem>>) offsets(%dma_start3A_403 : memref<128xi32, #tpu.memory_space<vmem>>) semaphore(%arg11 : memref<!tpu.dma_semaphore, #tpu.memory_space<semaphore_mem>>)
        %mul3A_407 = arith.constant 4 : i32
        %mul3A_408 = arith.muli %add3A_367, %mul3A_407 : i32
        %add3A_409 = arith.constant 3 : i32
        %add3A_410 = arith.addi %mul3A_408, %add3A_409 : i32
        %dma_start3A_411 = arith.constant 384 : i32
        %dma_start3A_412 = arith.constant 0 : i32
        %dma_start3A_413 = tpu.memref_slice %arg6[%dma_start3A_411, %dma_start3A_412] : memref<512x32xf32, #tpu.memory_space<vmem>> -> memref<128x32xf32, #tpu.memory_space<vmem>>
        %dma_start3A_414 = arith.constant 0 : i32
        %dma_start3A_415 = tpu.memref_slice %arg5[%add3A_410, %dma_start3A_414] : memref<200x128xi32, #tpu.memory_space<vmem>> -> memref<1x128xi32, #tpu.memory_space<vmem>>
        %dma_start3A_416 = tpu.memref_squeeze %dma_start3A_415 : memref<1x128xi32, #tpu.memory_space<vmem>> -> memref<128xi32, #tpu.memory_space<vmem>>
        %dma_start3A_417 = arith.constant 0 : i32
        %dma_start3A_418 = arith.constant 0 : i32
        %dma_start3A_419 = tpu.memref_slice %arg3[%dma_start3A_417, %dma_start3A_418] : memref<1000001x32xf32, #tpu.memory_space<hbm>> -> memref<1000001x32xf32, #tpu.memory_space<hbm>>
        tpu.enqueue_indirect_dma source(%dma_start3A_419 : memref<1000001x32xf32, #tpu.memory_space<hbm>>) target(%dma_start3A_413 : memref<128x32xf32, #tpu.memory_space<vmem>>) offsets(%dma_start3A_416 : memref<128xi32, #tpu.memory_space<vmem>>) semaphore(%arg11 : memref<!tpu.dma_semaphore, #tpu.memory_space<semaphore_mem>>)
      } else {
      }
      %mul3A_306 = arith.constant 5 : i32
      %mul3A_307 = arith.muli %scan3A_209, %mul3A_306 : i32
      %add3A_308 = arith.constant 1 : i32
      %add3A_309 = arith.addi %mul3A_307, %add3A_308 : i32
      %dma_wait3A_310 = arith.constant 0 : i32
      %dma_wait3A_311 = tpu.memref_slice %arg4[%mul3A_4, %dma_wait3A_310] : memref<819200x32xf32, #tpu.memory_space<hbm>> -> memref<512x32xf32, #tpu.memory_space<hbm>>
      %dma_wait3A_312 = arith.constant 0 : i32
      %dma_wait3A_313 = tpu.memref_slice %arg4[%mul3A_4, %dma_wait3A_312] : memref<819200x32xf32, #tpu.memory_space<hbm>> -> memref<512x32xf32, #tpu.memory_space<hbm>>
      tpu.wait_dma2 semaphore(%arg17 : memref<!tpu.dma_semaphore, #tpu.memory_space<semaphore_mem>>) src(%arg7 : memref<512x32xf32, #tpu.memory_space<vmem>>) dst(%dma_wait3A_313 : memref<512x32xf32, #tpu.memory_space<hbm>>)
      %add3A_314 = arith.constant 5 : i32
      %add3A_315 = arith.addi %add3A_309, %add3A_314 : i32
      %lt3A_316 = arith.constant 50 : i32
      %lt3A_317 = arith.cmpi slt, %add3A_315, %lt3A_316 : i32
      %convert_element_type3A_318 = arith.extui %lt3A_317 : i1 to i32
      %cond3A_319 = arith.constant 0 : i32
      %cond3A_320 = arith.cmpi ne, %convert_element_type3A_318, %cond3A_319 : i32
      scf.if %cond3A_320 {
        %add3A_366 = arith.constant 5 : i32
        %add3A_367 = arith.addi %add3A_309, %add3A_366 : i32
        %mul3A_368 = arith.constant 4 : i32
        %mul3A_369 = arith.muli %add3A_367, %mul3A_368 : i32
        %add3A_370 = arith.constant 0 : i32
        %add3A_371 = arith.addi %mul3A_369, %add3A_370 : i32
        %dma_start3A_372 = arith.constant 0 : i32
        %dma_start3A_373 = arith.constant 0 : i32
        %dma_start3A_374 = tpu.memref_slice %arg7[%dma_start3A_372, %dma_start3A_373] : memref<512x32xf32, #tpu.memory_space<vmem>> -> memref<128x32xf32, #tpu.memory_space<vmem>>
        %dma_start3A_375 = arith.constant 0 : i32
        %dma_start3A_376 = tpu.memref_slice %arg5[%add3A_371, %dma_start3A_375] : memref<200x128xi32, #tpu.memory_space<vmem>> -> memref<1x128xi32, #tpu.memory_space<vmem>>
        %dma_start3A_377 = tpu.memref_squeeze %dma_start3A_376 : memref<1x128xi32, #tpu.memory_space<vmem>> -> memref<128xi32, #tpu.memory_space<vmem>>
        %dma_start3A_378 = arith.constant 0 : i32
        %dma_start3A_379 = arith.constant 0 : i32
        %dma_start3A_380 = tpu.memref_slice %arg3[%dma_start3A_378, %dma_start3A_379] : memref<1000001x32xf32, #tpu.memory_space<hbm>> -> memref<1000001x32xf32, #tpu.memory_space<hbm>>
        tpu.enqueue_indirect_dma source(%dma_start3A_380 : memref<1000001x32xf32, #tpu.memory_space<hbm>>) target(%dma_start3A_374 : memref<128x32xf32, #tpu.memory_space<vmem>>) offsets(%dma_start3A_377 : memref<128xi32, #tpu.memory_space<vmem>>) semaphore(%arg12 : memref<!tpu.dma_semaphore, #tpu.memory_space<semaphore_mem>>)
        %mul3A_381 = arith.constant 4 : i32
        %mul3A_382 = arith.muli %add3A_367, %mul3A_381 : i32
        %add3A_383 = arith.constant 1 : i32
        %add3A_384 = arith.addi %mul3A_382, %add3A_383 : i32
        %dma_start3A_385 = arith.constant 128 : i32
        %dma_start3A_386 = arith.constant 0 : i32
        %dma_start3A_387 = tpu.memref_slice %arg7[%dma_start3A_385, %dma_start3A_386] : memref<512x32xf32, #tpu.memory_space<vmem>> -> memref<128x32xf32, #tpu.memory_space<vmem>>
        %dma_start3A_388 = arith.constant 0 : i32
        %dma_start3A_389 = tpu.memref_slice %arg5[%add3A_384, %dma_start3A_388] : memref<200x128xi32, #tpu.memory_space<vmem>> -> memref<1x128xi32, #tpu.memory_space<vmem>>
        %dma_start3A_390 = tpu.memref_squeeze %dma_start3A_389 : memref<1x128xi32, #tpu.memory_space<vmem>> -> memref<128xi32, #tpu.memory_space<vmem>>
        %dma_start3A_391 = arith.constant 0 : i32
        %dma_start3A_392 = arith.constant 0 : i32
        %dma_start3A_393 = tpu.memref_slice %arg3[%dma_start3A_391, %dma_start3A_392] : memref<1000001x32xf32, #tpu.memory_space<hbm>> -> memref<1000001x32xf32, #tpu.memory_space<hbm>>
        tpu.enqueue_indirect_dma source(%dma_start3A_393 : memref<1000001x32xf32, #tpu.memory_space<hbm>>) target(%dma_start3A_387 : memref<128x32xf32, #tpu.memory_space<vmem>>) offsets(%dma_start3A_390 : memref<128xi32, #tpu.memory_space<vmem>>) semaphore(%arg12 : memref<!tpu.dma_semaphore, #tpu.memory_space<semaphore_mem>>)
        %mul3A_394 = arith.constant 4 : i32
        %mul3A_395 = arith.muli %add3A_367, %mul3A_394 : i32
        %add3A_396 = arith.constant 2 : i32
        %add3A_397 = arith.addi %mul3A_395, %add3A_396 : i32
        %dma_start3A_398 = arith.constant 256 : i32
        %dma_start3A_399 = arith.constant 0 : i32
        %dma_start3A_400 = tpu.memref_slice %arg7[%dma_start3A_398, %dma_start3A_399] : memref<512x32xf32, #tpu.memory_space<vmem>> -> memref<128x32xf32, #tpu.memory_space<vmem>>
        %dma_start3A_401 = arith.constant 0 : i32
        %dma_start3A_402 = tpu.memref_slice %arg5[%add3A_397, %dma_start3A_401] : memref<200x128xi32, #tpu.memory_space<vmem>> -> memref<1x128xi32, #tpu.memory_space<vmem>>
        %dma_start3A_403 = tpu.memref_squeeze %dma_start3A_402 : memref<1x128xi32, #tpu.memory_space<vmem>> -> memref<128xi32, #tpu.memory_space<vmem>>
        %dma_start3A_404 = arith.constant 0 : i32
        %dma_start3A_405 = arith.constant 0 : i32
        %dma_start3A_406 = tpu.memref_slice %arg3[%dma_start3A_404, %dma_start3A_405] : memref<1000001x32xf32, #tpu.memory_space<hbm>> -> memref<1000001x32xf32, #tpu.memory_space<hbm>>
        tpu.enqueue_indirect_dma source(%dma_start3A_406 : memref<1000001x32xf32, #tpu.memory_space<hbm>>) target(%dma_start3A_400 : memref<128x32xf32, #tpu.memory_space<vmem>>) offsets(%dma_start3A_403 : memref<128xi32, #tpu.memory_space<vmem>>) semaphore(%arg12 : memref<!tpu.dma_semaphore, #tpu.memory_space<semaphore_mem>>)
        %mul3A_407 = arith.constant 4 : i32
        %mul3A_408 = arith.muli %add3A_367, %mul3A_407 : i32
        %add3A_409 = arith.constant 3 : i32
        %add3A_410 = arith.addi %mul3A_408, %add3A_409 : i32
        %dma_start3A_411 = arith.constant 384 : i32
        %dma_start3A_412 = arith.constant 0 : i32
        %dma_start3A_413 = tpu.memref_slice %arg7[%dma_start3A_411, %dma_start3A_412] : memref<512x32xf32, #tpu.memory_space<vmem>> -> memref<128x32xf32, #tpu.memory_space<vmem>>
        %dma_start3A_414 = arith.constant 0 : i32
        %dma_start3A_415 = tpu.memref_slice %arg5[%add3A_410, %dma_start3A_414] : memref<200x128xi32, #tpu.memory_space<vmem>> -> memref<1x128xi32, #tpu.memory_space<vmem>>
        %dma_start3A_416 = tpu.memref_squeeze %dma_start3A_415 : memref<1x128xi32, #tpu.memory_space<vmem>> -> memref<128xi32, #tpu.memory_space<vmem>>
        %dma_start3A_417 = arith.constant 0 : i32
        %dma_start3A_418 = arith.constant 0 : i32
        %dma_start3A_419 = tpu.memref_slice %arg3[%dma_start3A_417, %dma_start3A_418] : memref<1000001x32xf32, #tpu.memory_space<hbm>> -> memref<1000001x32xf32, #tpu.memory_space<hbm>>
        tpu.enqueue_indirect_dma source(%dma_start3A_419 : memref<1000001x32xf32, #tpu.memory_space<hbm>>) target(%dma_start3A_413 : memref<128x32xf32, #tpu.memory_space<vmem>>) offsets(%dma_start3A_416 : memref<128xi32, #tpu.memory_space<vmem>>) semaphore(%arg12 : memref<!tpu.dma_semaphore, #tpu.memory_space<semaphore_mem>>)
      } else {
      }
      %mul3A_321 = arith.constant 5 : i32
      %mul3A_322 = arith.muli %scan3A_209, %mul3A_321 : i32
      %add3A_323 = arith.constant 2 : i32
      %add3A_324 = arith.addi %mul3A_322, %add3A_323 : i32
      %dma_wait3A_325 = arith.constant 0 : i32
      %dma_wait3A_326 = tpu.memref_slice %arg4[%mul3A_4, %dma_wait3A_325] : memref<819200x32xf32, #tpu.memory_space<hbm>> -> memref<512x32xf32, #tpu.memory_space<hbm>>
      %dma_wait3A_327 = arith.constant 0 : i32
      %dma_wait3A_328 = tpu.memref_slice %arg4[%mul3A_4, %dma_wait3A_327] : memref<819200x32xf32, #tpu.memory_space<hbm>> -> memref<512x32xf32, #tpu.memory_space<hbm>>
      tpu.wait_dma2 semaphore(%arg18 : memref<!tpu.dma_semaphore, #tpu.memory_space<semaphore_mem>>) src(%arg8 : memref<512x32xf32, #tpu.memory_space<vmem>>) dst(%dma_wait3A_328 : memref<512x32xf32, #tpu.memory_space<hbm>>)
      %add3A_329 = arith.constant 5 : i32
      %add3A_330 = arith.addi %add3A_324, %add3A_329 : i32
      %lt3A_331 = arith.constant 50 : i32
      %lt3A_332 = arith.cmpi slt, %add3A_330, %lt3A_331 : i32
      %convert_element_type3A_333 = arith.extui %lt3A_332 : i1 to i32
      %cond3A_334 = arith.constant 0 : i32
      %cond3A_335 = arith.cmpi ne, %convert_element_type3A_333, %cond3A_334 : i32
      scf.if %cond3A_335 {
        %add3A_366 = arith.constant 5 : i32
        %add3A_367 = arith.addi %add3A_324, %add3A_366 : i32
        %mul3A_368 = arith.constant 4 : i32
        %mul3A_369 = arith.muli %add3A_367, %mul3A_368 : i32
        %add3A_370 = arith.constant 0 : i32
        %add3A_371 = arith.addi %mul3A_369, %add3A_370 : i32
        %dma_start3A_372 = arith.constant 0 : i32
        %dma_start3A_373 = arith.constant 0 : i32
        %dma_start3A_374 = tpu.memref_slice %arg8[%dma_start3A_372, %dma_start3A_373] : memref<512x32xf32, #tpu.memory_space<vmem>> -> memref<128x32xf32, #tpu.memory_space<vmem>>
        %dma_start3A_375 = arith.constant 0 : i32
        %dma_start3A_376 = tpu.memref_slice %arg5[%add3A_371, %dma_start3A_375] : memref<200x128xi32, #tpu.memory_space<vmem>> -> memref<1x128xi32, #tpu.memory_space<vmem>>
        %dma_start3A_377 = tpu.memref_squeeze %dma_start3A_376 : memref<1x128xi32, #tpu.memory_space<vmem>> -> memref<128xi32, #tpu.memory_space<vmem>>
        %dma_start3A_378 = arith.constant 0 : i32
        %dma_start3A_379 = arith.constant 0 : i32
        %dma_start3A_380 = tpu.memref_slice %arg3[%dma_start3A_378, %dma_start3A_379] : memref<1000001x32xf32, #tpu.memory_space<hbm>> -> memref<1000001x32xf32, #tpu.memory_space<hbm>>
        tpu.enqueue_indirect_dma source(%dma_start3A_380 : memref<1000001x32xf32, #tpu.memory_space<hbm>>) target(%dma_start3A_374 : memref<128x32xf32, #tpu.memory_space<vmem>>) offsets(%dma_start3A_377 : memref<128xi32, #tpu.memory_space<vmem>>) semaphore(%arg13 : memref<!tpu.dma_semaphore, #tpu.memory_space<semaphore_mem>>)
        %mul3A_381 = arith.constant 4 : i32
        %mul3A_382 = arith.muli %add3A_367, %mul3A_381 : i32
        %add3A_383 = arith.constant 1 : i32
        %add3A_384 = arith.addi %mul3A_382, %add3A_383 : i32
        %dma_start3A_385 = arith.constant 128 : i32
        %dma_start3A_386 = arith.constant 0 : i32
        %dma_start3A_387 = tpu.memref_slice %arg8[%dma_start3A_385, %dma_start3A_386] : memref<512x32xf32, #tpu.memory_space<vmem>> -> memref<128x32xf32, #tpu.memory_space<vmem>>
        %dma_start3A_388 = arith.constant 0 : i32
        %dma_start3A_389 = tpu.memref_slice %arg5[%add3A_384, %dma_start3A_388] : memref<200x128xi32, #tpu.memory_space<vmem>> -> memref<1x128xi32, #tpu.memory_space<vmem>>
        %dma_start3A_390 = tpu.memref_squeeze %dma_start3A_389 : memref<1x128xi32, #tpu.memory_space<vmem>> -> memref<128xi32, #tpu.memory_space<vmem>>
        %dma_start3A_391 = arith.constant 0 : i32
        %dma_start3A_392 = arith.constant 0 : i32
        %dma_start3A_393 = tpu.memref_slice %arg3[%dma_start3A_391, %dma_start3A_392] : memref<1000001x32xf32, #tpu.memory_space<hbm>> -> memref<1000001x32xf32, #tpu.memory_space<hbm>>
        tpu.enqueue_indirect_dma source(%dma_start3A_393 : memref<1000001x32xf32, #tpu.memory_space<hbm>>) target(%dma_start3A_387 : memref<128x32xf32, #tpu.memory_space<vmem>>) offsets(%dma_start3A_390 : memref<128xi32, #tpu.memory_space<vmem>>) semaphore(%arg13 : memref<!tpu.dma_semaphore, #tpu.memory_space<semaphore_mem>>)
        %mul3A_394 = arith.constant 4 : i32
        %mul3A_395 = arith.muli %add3A_367, %mul3A_394 : i32
        %add3A_396 = arith.constant 2 : i32
        %add3A_397 = arith.addi %mul3A_395, %add3A_396 : i32
        %dma_start3A_398 = arith.constant 256 : i32
        %dma_start3A_399 = arith.constant 0 : i32
        %dma_start3A_400 = tpu.memref_slice %arg8[%dma_start3A_398, %dma_start3A_399] : memref<512x32xf32, #tpu.memory_space<vmem>> -> memref<128x32xf32, #tpu.memory_space<vmem>>
        %dma_start3A_401 = arith.constant 0 : i32
        %dma_start3A_402 = tpu.memref_slice %arg5[%add3A_397, %dma_start3A_401] : memref<200x128xi32, #tpu.memory_space<vmem>> -> memref<1x128xi32, #tpu.memory_space<vmem>>
        %dma_start3A_403 = tpu.memref_squeeze %dma_start3A_402 : memref<1x128xi32, #tpu.memory_space<vmem>> -> memref<128xi32, #tpu.memory_space<vmem>>
        %dma_start3A_404 = arith.constant 0 : i32
        %dma_start3A_405 = arith.constant 0 : i32
        %dma_start3A_406 = tpu.memref_slice %arg3[%dma_start3A_404, %dma_start3A_405] : memref<1000001x32xf32, #tpu.memory_space<hbm>> -> memref<1000001x32xf32, #tpu.memory_space<hbm>>
        tpu.enqueue_indirect_dma source(%dma_start3A_406 : memref<1000001x32xf32, #tpu.memory_space<hbm>>) target(%dma_start3A_400 : memref<128x32xf32, #tpu.memory_space<vmem>>) offsets(%dma_start3A_403 : memref<128xi32, #tpu.memory_space<vmem>>) semaphore(%arg13 : memref<!tpu.dma_semaphore, #tpu.memory_space<semaphore_mem>>)
        %mul3A_407 = arith.constant 4 : i32
        %mul3A_408 = arith.muli %add3A_367, %mul3A_407 : i32
        %add3A_409 = arith.constant 3 : i32
        %add3A_410 = arith.addi %mul3A_408, %add3A_409 : i32
        %dma_start3A_411 = arith.constant 384 : i32
        %dma_start3A_412 = arith.constant 0 : i32
        %dma_start3A_413 = tpu.memref_slice %arg8[%dma_start3A_411, %dma_start3A_412] : memref<512x32xf32, #tpu.memory_space<vmem>> -> memref<128x32xf32, #tpu.memory_space<vmem>>
        %dma_start3A_414 = arith.constant 0 : i32
        %dma_start3A_415 = tpu.memref_slice %arg5[%add3A_410, %dma_start3A_414] : memref<200x128xi32, #tpu.memory_space<vmem>> -> memref<1x128xi32, #tpu.memory_space<vmem>>
        %dma_start3A_416 = tpu.memref_squeeze %dma_start3A_415 : memref<1x128xi32, #tpu.memory_space<vmem>> -> memref<128xi32, #tpu.memory_space<vmem>>
        %dma_start3A_417 = arith.constant 0 : i32
        %dma_start3A_418 = arith.constant 0 : i32
        %dma_start3A_419 = tpu.memref_slice %arg3[%dma_start3A_417, %dma_start3A_418] : memref<1000001x32xf32, #tpu.memory_space<hbm>> -> memref<1000001x32xf32, #tpu.memory_space<hbm>>
        tpu.enqueue_indirect_dma source(%dma_start3A_419 : memref<1000001x32xf32, #tpu.memory_space<hbm>>) target(%dma_start3A_413 : memref<128x32xf32, #tpu.memory_space<vmem>>) offsets(%dma_start3A_416 : memref<128xi32, #tpu.memory_space<vmem>>) semaphore(%arg13 : memref<!tpu.dma_semaphore, #tpu.memory_space<semaphore_mem>>)
      } else {
      }
      %mul3A_336 = arith.constant 5 : i32
      %mul3A_337 = arith.muli %scan3A_209, %mul3A_336 : i32
      %add3A_338 = arith.constant 3 : i32
      %add3A_339 = arith.addi %mul3A_337, %add3A_338 : i32
      %dma_wait3A_340 = arith.constant 0 : i32
      %dma_wait3A_341 = tpu.memref_slice %arg4[%mul3A_4, %dma_wait3A_340] : memref<819200x32xf32, #tpu.memory_space<hbm>> -> memref<512x32xf32, #tpu.memory_space<hbm>>
      %dma_wait3A_342 = arith.constant 0 : i32
      %dma_wait3A_343 = tpu.memref_slice %arg4[%mul3A_4, %dma_wait3A_342] : memref<819200x32xf32, #tpu.memory_space<hbm>> -> memref<512x32xf32, #tpu.memory_space<hbm>>
      tpu.wait_dma2 semaphore(%arg19 : memref<!tpu.dma_semaphore, #tpu.memory_space<semaphore_mem>>) src(%arg9 : memref<512x32xf32, #tpu.memory_space<vmem>>) dst(%dma_wait3A_343 : memref<512x32xf32, #tpu.memory_space<hbm>>)
      %add3A_344 = arith.constant 5 : i32
      %add3A_345 = arith.addi %add3A_339, %add3A_344 : i32
      %lt3A_346 = arith.constant 50 : i32
      %lt3A_347 = arith.cmpi slt, %add3A_345, %lt3A_346 : i32
      %convert_element_type3A_348 = arith.extui %lt3A_347 : i1 to i32
      %cond3A_349 = arith.constant 0 : i32
      %cond3A_350 = arith.cmpi ne, %convert_element_type3A_348, %cond3A_349 : i32
      scf.if %cond3A_350 {
        %add3A_366 = arith.constant 5 : i32
        %add3A_367 = arith.addi %add3A_339, %add3A_366 : i32
        %mul3A_368 = arith.constant 4 : i32
        %mul3A_369 = arith.muli %add3A_367, %mul3A_368 : i32
        %add3A_370 = arith.constant 0 : i32
        %add3A_371 = arith.addi %mul3A_369, %add3A_370 : i32
        %dma_start3A_372 = arith.constant 0 : i32
        %dma_start3A_373 = arith.constant 0 : i32
        %dma_start3A_374 = tpu.memref_slice %arg9[%dma_start3A_372, %dma_start3A_373] : memref<512x32xf32, #tpu.memory_space<vmem>> -> memref<128x32xf32, #tpu.memory_space<vmem>>
        %dma_start3A_375 = arith.constant 0 : i32
        %dma_start3A_376 = tpu.memref_slice %arg5[%add3A_371, %dma_start3A_375] : memref<200x128xi32, #tpu.memory_space<vmem>> -> memref<1x128xi32, #tpu.memory_space<vmem>>
        %dma_start3A_377 = tpu.memref_squeeze %dma_start3A_376 : memref<1x128xi32, #tpu.memory_space<vmem>> -> memref<128xi32, #tpu.memory_space<vmem>>
        %dma_start3A_378 = arith.constant 0 : i32
        %dma_start3A_379 = arith.constant 0 : i32
        %dma_start3A_380 = tpu.memref_slice %arg3[%dma_start3A_378, %dma_start3A_379] : memref<1000001x32xf32, #tpu.memory_space<hbm>> -> memref<1000001x32xf32, #tpu.memory_space<hbm>>
        tpu.enqueue_indirect_dma source(%dma_start3A_380 : memref<1000001x32xf32, #tpu.memory_space<hbm>>) target(%dma_start3A_374 : memref<128x32xf32, #tpu.memory_space<vmem>>) offsets(%dma_start3A_377 : memref<128xi32, #tpu.memory_space<vmem>>) semaphore(%arg14 : memref<!tpu.dma_semaphore, #tpu.memory_space<semaphore_mem>>)
        %mul3A_381 = arith.constant 4 : i32
        %mul3A_382 = arith.muli %add3A_367, %mul3A_381 : i32
        %add3A_383 = arith.constant 1 : i32
        %add3A_384 = arith.addi %mul3A_382, %add3A_383 : i32
        %dma_start3A_385 = arith.constant 128 : i32
        %dma_start3A_386 = arith.constant 0 : i32
        %dma_start3A_387 = tpu.memref_slice %arg9[%dma_start3A_385, %dma_start3A_386] : memref<512x32xf32, #tpu.memory_space<vmem>> -> memref<128x32xf32, #tpu.memory_space<vmem>>
        %dma_start3A_388 = arith.constant 0 : i32
        %dma_start3A_389 = tpu.memref_slice %arg5[%add3A_384, %dma_start3A_388] : memref<200x128xi32, #tpu.memory_space<vmem>> -> memref<1x128xi32, #tpu.memory_space<vmem>>
        %dma_start3A_390 = tpu.memref_squeeze %dma_start3A_389 : memref<1x128xi32, #tpu.memory_space<vmem>> -> memref<128xi32, #tpu.memory_space<vmem>>
        %dma_start3A_391 = arith.constant 0 : i32
        %dma_start3A_392 = arith.constant 0 : i32
        %dma_start3A_393 = tpu.memref_slice %arg3[%dma_start3A_391, %dma_start3A_392] : memref<1000001x32xf32, #tpu.memory_space<hbm>> -> memref<1000001x32xf32, #tpu.memory_space<hbm>>
        tpu.enqueue_indirect_dma source(%dma_start3A_393 : memref<1000001x32xf32, #tpu.memory_space<hbm>>) target(%dma_start3A_387 : memref<128x32xf32, #tpu.memory_space<vmem>>) offsets(%dma_start3A_390 : memref<128xi32, #tpu.memory_space<vmem>>) semaphore(%arg14 : memref<!tpu.dma_semaphore, #tpu.memory_space<semaphore_mem>>)
        %mul3A_394 = arith.constant 4 : i32
        %mul3A_395 = arith.muli %add3A_367, %mul3A_394 : i32
        %add3A_396 = arith.constant 2 : i32
        %add3A_397 = arith.addi %mul3A_395, %add3A_396 : i32
        %dma_start3A_398 = arith.constant 256 : i32
        %dma_start3A_399 = arith.constant 0 : i32
        %dma_start3A_400 = tpu.memref_slice %arg9[%dma_start3A_398, %dma_start3A_399] : memref<512x32xf32, #tpu.memory_space<vmem>> -> memref<128x32xf32, #tpu.memory_space<vmem>>
        %dma_start3A_401 = arith.constant 0 : i32
        %dma_start3A_402 = tpu.memref_slice %arg5[%add3A_397, %dma_start3A_401] : memref<200x128xi32, #tpu.memory_space<vmem>> -> memref<1x128xi32, #tpu.memory_space<vmem>>
        %dma_start3A_403 = tpu.memref_squeeze %dma_start3A_402 : memref<1x128xi32, #tpu.memory_space<vmem>> -> memref<128xi32, #tpu.memory_space<vmem>>
        %dma_start3A_404 = arith.constant 0 : i32
        %dma_start3A_405 = arith.constant 0 : i32
        %dma_start3A_406 = tpu.memref_slice %arg3[%dma_start3A_404, %dma_start3A_405] : memref<1000001x32xf32, #tpu.memory_space<hbm>> -> memref<1000001x32xf32, #tpu.memory_space<hbm>>
        tpu.enqueue_indirect_dma source(%dma_start3A_406 : memref<1000001x32xf32, #tpu.memory_space<hbm>>) target(%dma_start3A_400 : memref<128x32xf32, #tpu.memory_space<vmem>>) offsets(%dma_start3A_403 : memref<128xi32, #tpu.memory_space<vmem>>) semaphore(%arg14 : memref<!tpu.dma_semaphore, #tpu.memory_space<semaphore_mem>>)
        %mul3A_407 = arith.constant 4 : i32
        %mul3A_408 = arith.muli %add3A_367, %mul3A_407 : i32
        %add3A_409 = arith.constant 3 : i32
        %add3A_410 = arith.addi %mul3A_408, %add3A_409 : i32
        %dma_start3A_411 = arith.constant 384 : i32
        %dma_start3A_412 = arith.constant 0 : i32
        %dma_start3A_413 = tpu.memref_slice %arg9[%dma_start3A_411, %dma_start3A_412] : memref<512x32xf32, #tpu.memory_space<vmem>> -> memref<128x32xf32, #tpu.memory_space<vmem>>
        %dma_start3A_414 = arith.constant 0 : i32
        %dma_start3A_415 = tpu.memref_slice %arg5[%add3A_410, %dma_start3A_414] : memref<200x128xi32, #tpu.memory_space<vmem>> -> memref<1x128xi32, #tpu.memory_space<vmem>>
        %dma_start3A_416 = tpu.memref_squeeze %dma_start3A_415 : memref<1x128xi32, #tpu.memory_space<vmem>> -> memref<128xi32, #tpu.memory_space<vmem>>
        %dma_start3A_417 = arith.constant 0 : i32
        %dma_start3A_418 = arith.constant 0 : i32
        %dma_start3A_419 = tpu.memref_slice %arg3[%dma_start3A_417, %dma_start3A_418] : memref<1000001x32xf32, #tpu.memory_space<hbm>> -> memref<1000001x32xf32, #tpu.memory_space<hbm>>
        tpu.enqueue_indirect_dma source(%dma_start3A_419 : memref<1000001x32xf32, #tpu.memory_space<hbm>>) target(%dma_start3A_413 : memref<128x32xf32, #tpu.memory_space<vmem>>) offsets(%dma_start3A_416 : memref<128xi32, #tpu.memory_space<vmem>>) semaphore(%arg14 : memref<!tpu.dma_semaphore, #tpu.memory_space<semaphore_mem>>)
      } else {
      }
      %mul3A_351 = arith.constant 5 : i32
      %mul3A_352 = arith.muli %scan3A_209, %mul3A_351 : i32
      %add3A_353 = arith.constant 4 : i32
      %add3A_354 = arith.addi %mul3A_352, %add3A_353 : i32
      %dma_wait3A_355 = arith.constant 0 : i32
      %dma_wait3A_356 = tpu.memref_slice %arg4[%mul3A_4, %dma_wait3A_355] : memref<819200x32xf32, #tpu.memory_space<hbm>> -> memref<512x32xf32, #tpu.memory_space<hbm>>
      %dma_wait3A_357 = arith.constant 0 : i32
      %dma_wait3A_358 = tpu.memref_slice %arg4[%mul3A_4, %dma_wait3A_357] : memref<819200x32xf32, #tpu.memory_space<hbm>> -> memref<512x32xf32, #tpu.memory_space<hbm>>
      tpu.wait_dma2 semaphore(%arg20 : memref<!tpu.dma_semaphore, #tpu.memory_space<semaphore_mem>>) src(%arg10 : memref<512x32xf32, #tpu.memory_space<vmem>>) dst(%dma_wait3A_358 : memref<512x32xf32, #tpu.memory_space<hbm>>)
      %add3A_359 = arith.constant 5 : i32
      %add3A_360 = arith.addi %add3A_354, %add3A_359 : i32
      %lt3A_361 = arith.constant 50 : i32
      %lt3A_362 = arith.cmpi slt, %add3A_360, %lt3A_361 : i32
      %convert_element_type3A_363 = arith.extui %lt3A_362 : i1 to i32
      %cond3A_364 = arith.constant 0 : i32
      %cond3A_365 = arith.cmpi ne, %convert_element_type3A_363, %cond3A_364 : i32
      scf.if %cond3A_365 {
        %add3A_366 = arith.constant 5 : i32
        %add3A_367 = arith.addi %add3A_354, %add3A_366 : i32
        %mul3A_368 = arith.constant 4 : i32
        %mul3A_369 = arith.muli %add3A_367, %mul3A_368 : i32
        %add3A_370 = arith.constant 0 : i32
        %add3A_371 = arith.addi %mul3A_369, %add3A_370 : i32
        %dma_start3A_372 = arith.constant 0 : i32
        %dma_start3A_373 = arith.constant 0 : i32
        %dma_start3A_374 = tpu.memref_slice %arg10[%dma_start3A_372, %dma_start3A_373] : memref<512x32xf32, #tpu.memory_space<vmem>> -> memref<128x32xf32, #tpu.memory_space<vmem>>
        %dma_start3A_375 = arith.constant 0 : i32
        %dma_start3A_376 = tpu.memref_slice %arg5[%add3A_371, %dma_start3A_375] : memref<200x128xi32, #tpu.memory_space<vmem>> -> memref<1x128xi32, #tpu.memory_space<vmem>>
        %dma_start3A_377 = tpu.memref_squeeze %dma_start3A_376 : memref<1x128xi32, #tpu.memory_space<vmem>> -> memref<128xi32, #tpu.memory_space<vmem>>
        %dma_start3A_378 = arith.constant 0 : i32
        %dma_start3A_379 = arith.constant 0 : i32
        %dma_start3A_380 = tpu.memref_slice %arg3[%dma_start3A_378, %dma_start3A_379] : memref<1000001x32xf32, #tpu.memory_space<hbm>> -> memref<1000001x32xf32, #tpu.memory_space<hbm>>
        tpu.enqueue_indirect_dma source(%dma_start3A_380 : memref<1000001x32xf32, #tpu.memory_space<hbm>>) target(%dma_start3A_374 : memref<128x32xf32, #tpu.memory_space<vmem>>) offsets(%dma_start3A_377 : memref<128xi32, #tpu.memory_space<vmem>>) semaphore(%arg15 : memref<!tpu.dma_semaphore, #tpu.memory_space<semaphore_mem>>)
        %mul3A_381 = arith.constant 4 : i32
        %mul3A_382 = arith.muli %add3A_367, %mul3A_381 : i32
        %add3A_383 = arith.constant 1 : i32
        %add3A_384 = arith.addi %mul3A_382, %add3A_383 : i32
        %dma_start3A_385 = arith.constant 128 : i32
        %dma_start3A_386 = arith.constant 0 : i32
        %dma_start3A_387 = tpu.memref_slice %arg10[%dma_start3A_385, %dma_start3A_386] : memref<512x32xf32, #tpu.memory_space<vmem>> -> memref<128x32xf32, #tpu.memory_space<vmem>>
        %dma_start3A_388 = arith.constant 0 : i32
        %dma_start3A_389 = tpu.memref_slice %arg5[%add3A_384, %dma_start3A_388] : memref<200x128xi32, #tpu.memory_space<vmem>> -> memref<1x128xi32, #tpu.memory_space<vmem>>
        %dma_start3A_390 = tpu.memref_squeeze %dma_start3A_389 : memref<1x128xi32, #tpu.memory_space<vmem>> -> memref<128xi32, #tpu.memory_space<vmem>>
        %dma_start3A_391 = arith.constant 0 : i32
        %dma_start3A_392 = arith.constant 0 : i32
        %dma_start3A_393 = tpu.memref_slice %arg3[%dma_start3A_391, %dma_start3A_392] : memref<1000001x32xf32, #tpu.memory_space<hbm>> -> memref<1000001x32xf32, #tpu.memory_space<hbm>>
        tpu.enqueue_indirect_dma source(%dma_start3A_393 : memref<1000001x32xf32, #tpu.memory_space<hbm>>) target(%dma_start3A_387 : memref<128x32xf32, #tpu.memory_space<vmem>>) offsets(%dma_start3A_390 : memref<128xi32, #tpu.memory_space<vmem>>) semaphore(%arg15 : memref<!tpu.dma_semaphore, #tpu.memory_space<semaphore_mem>>)
        %mul3A_394 = arith.constant 4 : i32
        %mul3A_395 = arith.muli %add3A_367, %mul3A_394 : i32
        %add3A_396 = arith.constant 2 : i32
        %add3A_397 = arith.addi %mul3A_395, %add3A_396 : i32
        %dma_start3A_398 = arith.constant 256 : i32
        %dma_start3A_399 = arith.constant 0 : i32
        %dma_start3A_400 = tpu.memref_slice %arg10[%dma_start3A_398, %dma_start3A_399] : memref<512x32xf32, #tpu.memory_space<vmem>> -> memref<128x32xf32, #tpu.memory_space<vmem>>
        %dma_start3A_401 = arith.constant 0 : i32
        %dma_start3A_402 = tpu.memref_slice %arg5[%add3A_397, %dma_start3A_401] : memref<200x128xi32, #tpu.memory_space<vmem>> -> memref<1x128xi32, #tpu.memory_space<vmem>>
        %dma_start3A_403 = tpu.memref_squeeze %dma_start3A_402 : memref<1x128xi32, #tpu.memory_space<vmem>> -> memref<128xi32, #tpu.memory_space<vmem>>
        %dma_start3A_404 = arith.constant 0 : i32
        %dma_start3A_405 = arith.constant 0 : i32
        %dma_start3A_406 = tpu.memref_slice %arg3[%dma_start3A_404, %dma_start3A_405] : memref<1000001x32xf32, #tpu.memory_space<hbm>> -> memref<1000001x32xf32, #tpu.memory_space<hbm>>
        tpu.enqueue_indirect_dma source(%dma_start3A_406 : memref<1000001x32xf32, #tpu.memory_space<hbm>>) target(%dma_start3A_400 : memref<128x32xf32, #tpu.memory_space<vmem>>) offsets(%dma_start3A_403 : memref<128xi32, #tpu.memory_space<vmem>>) semaphore(%arg15 : memref<!tpu.dma_semaphore, #tpu.memory_space<semaphore_mem>>)
        %mul3A_407 = arith.constant 4 : i32
        %mul3A_408 = arith.muli %add3A_367, %mul3A_407 : i32
        %add3A_409 = arith.constant 3 : i32
        %add3A_410 = arith.addi %mul3A_408, %add3A_409 : i32
        %dma_start3A_411 = arith.constant 384 : i32
        %dma_start3A_412 = arith.constant 0 : i32
        %dma_start3A_413 = tpu.memref_slice %arg10[%dma_start3A_411, %dma_start3A_412] : memref<512x32xf32, #tpu.memory_space<vmem>> -> memref<128x32xf32, #tpu.memory_space<vmem>>
        %dma_start3A_414 = arith.constant 0 : i32
        %dma_start3A_415 = tpu.memref_slice %arg5[%add3A_410, %dma_start3A_414] : memref<200x128xi32, #tpu.memory_space<vmem>> -> memref<1x128xi32, #tpu.memory_space<vmem>>
        %dma_start3A_416 = tpu.memref_squeeze %dma_start3A_415 : memref<1x128xi32, #tpu.memory_space<vmem>> -> memref<128xi32, #tpu.memory_space<vmem>>
        %dma_start3A_417 = arith.constant 0 : i32
        %dma_start3A_418 = arith.constant 0 : i32
        %dma_start3A_419 = tpu.memref_slice %arg3[%dma_start3A_417, %dma_start3A_418] : memref<1000001x32xf32, #tpu.memory_space<hbm>> -> memref<1000001x32xf32, #tpu.memory_space<hbm>>
        tpu.enqueue_indirect_dma source(%dma_start3A_419 : memref<1000001x32xf32, #tpu.memory_space<hbm>>) target(%dma_start3A_413 : memref<128x32xf32, #tpu.memory_space<vmem>>) offsets(%dma_start3A_416 : memref<128xi32, #tpu.memory_space<vmem>>) semaphore(%arg15 : memref<!tpu.dma_semaphore, #tpu.memory_space<semaphore_mem>>)
      } else {
      }
    }
    %scan3A_208 = arith.constant 10 : i32
    return
  }
}

</mosaic_0001>

<sc_bundles>
// kernel: kernel.3.cloned.1.call-start
scs
__scs_entry_jumppad:
0x0: {  	(pc) =	sbr.rel $0x88, $3  }
0x1: {  	(tag) =	ssettag $0x0;
	lr =	simm.s32 $0x1  }
0x2: {  	[smem:$0x3F9F] =	sst lr;
	_ =	strace $0xD0000000  }
0x3: {  	_ = 	snop  }
0x4: {  	_ = 	snop  }
0x5: {  	_ = 	snop  }
0x6: {  	_ = 	snop  }
0x7: {  	_ = 	snop  }
__scs_overlays_trampoline_lowered:
0x8: {  	[smem:$0x3FAE] =	sst s0  }
0x9: {  	[smem:$0x3FAF] =	sst s1  }
0xa: {  	[smem:$0x3FB0] =	sst s2  }
0xb: {  	[smem:$0x3FB1] =	sst s3  }
0xc: {  	[smem:$0x3FB2] =	sst s4  }
0xd: {  	[smem:$0x3FB3] =	sst s5  }
0xe: {  	[smem:$0x3FB4] =	sst s6  }
0xf: {  	[smem:$0x3FB5] =	sst s7  }
0x10: {  	[smem:$0x3FB6] =	sst s8  }
0x11: {  	[smem:$0x3FB7] =	sst s9;
	s0 =	simm.s32 @!p0 $0x0  }
0x12: {  	s1 =	sld [smem:$0x3F9D];
	s0 =	simm.s32 @p0 $0x1  }
0x13: {  	[smem:$0x3FB8] =	sst s0;
	s0 =	simm.s32 @!p1 $0x0  }
0x14: {  	s2 =	sld [smem:$0x3F9C];
	s0 =	simm.s32 @p1 $0x1  }
0x15: {  	[smem:$0x3FB9] =	sst s0;
	s0 =	simm.s32 @!p2 $0x0  }
0x16: {  	s3 =	sld [smem:$0x3FDB];
	s0 =	simm.s32 @p2 $0x1  }
0x17: {  	s4 =	simm.s32 $0x1BF5;
	[smem:$0x3FBB] =	sst s0  }
0x18: {  	s0 =	sld [smem:$0x3F9E];
	_ =	swait.ge [sflag:s4], $0x0  }
0x19: {  	s7 =	sld [smem:$0x3F9F]  }
0x1a: {  	s8 =	sadd.s32 $0xFFFFE003, lr  }
0x1b: {  	s9 =	sadd.s32 $0xFFFFFEF7, lr;
	s5 =	simm.s32 $0xFFFFFFFF;
	p2 =	slt.u32 s8, $0xFFFFF086  }
0x1c: {  	p1 =	slt.u32 s9, $0xF7A;
	s5 =	simm.s32 @!p2 $0x0  }
0x1d: {  	s5 =	simm.s32 @p1 $0x1;
	p0 =	seq.s32 s7, s2  }
0x1e: {  	s7 =	smul.u32 @!p0 $0xF7A, s2;
	p2 =	seq.s32 @!p0 s5, $0x0  }
0x1f: {  	s9 =	smul.u32 $0xF7A, s1;
	s8 =	simm.s32 @!p0 $0x1BF5;
	p2 =	por !p2, p0  }
0x20: {  	[sflag:s8] =	ssyncset.s32 @!p0 $0xFFFFF086;
	s6 =	sadd.s32 @!p0 s3, s7;
	s7 =	simm.s32 @!p0 $0x108  }
0x21: {  	s3 =	sadd.s32 s3, s9;
	s6 =	sadd.s32 @!p0 $0x88, s6;
	s7 =	simm.s32 @p2 $0x1082  }
0x22: {  	[simem:s7], [sflag:s8] =	dma.local @!p0 [hbm:s6], $0xF7A  }
0x23: {  	s9 =	sor.u32 $0xD0000000, s2;
	s6 =	simm.s32 $0x108;
	_ =	swait.ge @!p0 [sflag:s8], $0x0  }
0x24: {  	s3 =	sadd.s32 $0x88, s3;
	s6 =	simm.s32 @!p1 $0x1082;
	[sflag:s4] =	ssyncset.s32 $0xFFFFF086  }
0x25: {  	[simem:s6], [sflag:s4] =	dma.local [hbm:s3], $0xF7A  }
0x26: {  	[smem:$0x3F9F] =	sst s1;
	(tag) =	ssettag s2;
	_ =	strace s9  }
0x27: {  	s1 =	sld [smem:$0x3FAF]  }
0x28: {  	s2 =	sld [smem:$0x3FB0]  }
0x29: {  	s4 =	sld [smem:$0x3FB2]  }
0x2a: {  	p0 =	seq.s32 s5, $0x0;
	s5 =	sld [smem:$0x3FB3]  }
0x2b: {  	s6 =	sld [smem:$0x3FB4]  }
0x2c: {  	s7 =	sld [smem:$0x3FB5]  }
0x2d: {  	s3 =	simm.s32 $0x108;
	s8 =	sld [smem:$0x3FB6]  }
0x2e: {  	s3 =	simm.s32 @!p0 $0x1082;
	s9 =	sld [smem:$0x3FB7]  }
0x2f: {  	lr =	sadd.s32 s0, s3;
	s0 =	sld [smem:$0x3FAE]  }
0x30: {  	s3 =	sld [smem:$0x3FB1]  }
0x31: {  	[smem:$0x3FBA] =	sst s10  }
0x32: {  	s10 =	sld [smem:$0x3FB8];
	_ =	sdelay $0x3  }
0x33: {  	p0 =	seq.s32 s10, $0x1;
	s10 =	sld [smem:$0x3FBA];
	_ =	sdelay $0x3  }
0x34: {  	[smem:$0x3FBA] =	sst s10  }
0x35: {  	s10 =	sld [smem:$0x3FB9];
	_ =	sdelay $0x3  }
0x36: {  	p1 =	seq.s32 s10, $0x1;
	s10 =	sld [smem:$0x3FBA];
	_ =	sdelay $0x3  }
0x37: {  	[smem:$0x3FBA] =	sst s10  }
0x38: {  	s10 =	sld [smem:$0x3FBB]  }
0x39: {  	_ = 	snop;
	(pc) =	sbr.ind lr, $3  }
0x3a: {  	_ = 	snop  }
0x3b: {  	_ = 	snop  }
0x3c: {  	p2 =	seq.s32 s10, $0x1;
	s10 =	sld [smem:$0x3FBA]  }
0x3d: {  	_ =	shalt  }
0x3e: {  	_ =	shalt  }
0x3f: {  	_ =	shalt  }
0x40: {  	_ =	shalt  }
0x41: {  	_ =	shalt  }
0x42: {  	_ =	shalt  }
0x43: {  	_ =	shalt  }
0x44: {  	_ =	shalt  }
0x45: {  	_ =	shalt  }
0x46: {  	_ =	shalt  }
0x47: {  	_ =	shalt  }
0x48: {  	_ =	shalt  }
0x49: {  	_ =	shalt  }
0x4a: {  	_ =	shalt  }
0x4b: {  	_ =	shalt  }
0x4c: {  	_ =	shalt  }
0x4d: {  	_ =	shalt  }
0x4e: {  	_ =	shalt  }
0x4f: {  	_ =	shalt  }
0x50: {  	_ =	shalt  }
0x51: {  	_ =	shalt  }
0x52: {  	_ =	shalt  }
0x53: {  	_ =	shalt  }
0x54: {  	_ =	shalt  }
0x55: {  	_ =	shalt  }
0x56: {  	_ =	shalt  }
0x57: {  	_ =	shalt  }
0x58: {  	_ =	shalt  }
0x59: {  	_ =	shalt  }
0x5a: {  	_ =	shalt  }
0x5b: {  	_ =	shalt  }
0x5c: {  	_ =	shalt  }
0x5d: {  	_ =	shalt  }
0x5e: {  	_ =	shalt  }
0x5f: {  	_ =	shalt  }
0x60: {  	_ =	shalt  }
0x61: {  	_ =	shalt  }
0x62: {  	_ =	shalt  }
0x63: {  	_ =	shalt  }
0x64: {  	_ =	shalt  }
0x65: {  	_ =	shalt  }
0x66: {  	_ =	shalt  }
0x67: {  	_ =	shalt  }
0x68: {  	_ =	shalt  }
0x69: {  	_ =	shalt  }
0x6a: {  	_ =	shalt  }
0x6b: {  	_ =	shalt  }
0x6c: {  	_ =	shalt  }
0x6d: {  	_ =	shalt  }
0x6e: {  	_ =	shalt  }
0x6f: {  	_ =	shalt  }
0x70: {  	_ =	shalt  }
0x71: {  	_ =	shalt  }
0x72: {  	_ =	shalt  }
0x73: {  	_ =	shalt  }
0x74: {  	_ =	shalt  }
0x75: {  	_ =	shalt  }
0x76: {  	_ =	shalt  }
0x77: {  	_ =	shalt  }
0x78: {  	_ =	shalt  }
0x79: {  	_ =	shalt  }
0x7a: {  	_ =	shalt  }
0x7b: {  	_ =	shalt  }
0x7c: {  	_ =	shalt  }
0x7d: {  	_ =	shalt  }
0x7e: {  	_ =	shalt  }
0x7f: {  	_ =	shalt  }
0x80: {  	_ =	shalt  }
0x81: {  	_ =	shalt  }
0x82: {  	_ =	shalt  }
0x83: {  	_ =	shalt  }
0x84: {  	_ =	shalt  }
0x85: {  	_ =	shalt  }
0x86: {  	_ =	shalt  }
0x87: {  	_ =	shalt  }
.Lfunc_end0:
.L_simem_size_0:
called_computation.1_lowered:
.L_overlay_start_0:
0x88: {  	s2 =	sld [smem:$0x3FD9]  }
0x89: {  	s3 =	sld [smem:$0x3FFE];
	_ =	sdelay $0x1  }
0x8a: {  	s1 =	srdreg.scid  }
0x8b: {  	s0 =	sand.u32 $0x1, s1  }
0x8c: {  	s17 =	sshll.u32 s0, $0xA;
	s2 =	sadd.s32 s3, s2  }
0x8d: {  	s2 =	sadd.s32 s2, s17  }
0x8e: {  	[smem:$0x3FC6] =	sst s2  }
0x8f: {  	_ = 	snop  }
0x90: {  	s2 =	sld [smem:$0x3FD0];
	(tm) =	ssettm $0x1  }
0x91: {  	s18 =	sld [smem:$0x3FFB];
	_ =	sdelay $0x3  }
0x92: {  	_ =	strace s18  }
0x93: {  	s3 =	sld [smem:$0x3FFC];
	_ =	sdelay $0x3  }
0x94: {  	_ =	strace s3  }
0x95: {  	s3 =	sld [smem:$0x3FFD];
	_ =	sdelay $0x3  }
0x96: {  	_ =	strace s3  }
0x97: {  	_ =	strace $0x8FFFFFFF  }
0x98: {  	s19 =	sld [smem:$0x3FDB];
	_ =	sdelay $0x1  }
0x99: {  	s4 =	simm.s32 $_scs_section_size  }
0x9a: {  	s5 =	simm.s32 $_size__tile_overlayer_lowered;
	s6 =	simm.s32 $_tile_overlayer_lowered  }
0x9b: {  	s22 =	simm.s32 $0x1BFF;
	s21 =	sshll.u32 s6, $0x1;
	s3 =	sadd.s32 s4, s19  }
0x9c: {  	s7 =	simm.s32 $0x0;
	s20 =	sshll.u32 s5, $0x1;
	s5 =	sadd.s32 s21, s3  }
0x9d: {  	[timem:s7], [sflag:s22] =	dma.local [hbm:s5], s20  }
0x9e: {  	_ =	swait.ge [sflag:s22], s20  }
0x9f: {  	s4 =	ssub.s32 $0x0, s20;
	[sflag:s22] =	ssyncset.done $0x0  }
0xa0: {  	[sflag:s22] =	ssyncadd.s32 s4;
	_ =	sdelay $0x1  }
0xa1: {  	s23 =	simm.s32 $0x1B8B  }
0xa2: {  	_ =	swait.ge [sflag:s23], $0x1  }
0xa3: {  	[sflag:s23] =	ssyncset.done $0x0  }
0xa4: {  	s25 =	simm.s32 $0x1B8E;
	s24 =	sld [smem:$0x3FFE];
	[sflag:s23] =	ssyncadd.s32 $0xFFFFFFFF  }
0xa5: {  	s26 =	simm.s32 $execute0_lowered;
	[smem:$0x3FD2] =	sst s25  }
0xa6: {  	s5 =	sshll.u32 s26, $0x1;
	_ =	strace $0x80000046;
	[dreg:$0x1] =	wrdreg $0xFFFFFFFF  }
0xa7: {  	s28 =	simm.s32 $_size_execute0_lowered;
	s3 =	sadd.s32 s3, s5;
	[dreg:$0x0] =	wrdreg $0x0  }
0xa8: {  	s5 =	sshll.u32 s28, $0x1;
	[dreg:$0x2] =	wrdreg s3  }
0xa9: {  	[dreg:$0x3] =	wrdreg s5  }
0xaa: {  	[dreg:$0x4] =	wrdreg $0xC0  }
0xab: {  	_ =	task [dreg:s7], $0x5FFFF  }
0xac: {  	[dreg:$0x1] =	wrdreg $0xFFFFFFFF  }
0xad: {  	[dreg:$0x0] =	wrdreg $0x60  }
0xae: {  	[dreg:$0x2] =	wrdreg s24  }
0xaf: {  	[dreg:$0x3] =	wrdreg s2  }
0xb0: {  	[dreg:$0x4] =	wrdreg $0x9  }
0xb1: {  	_ =	task.clear_ibuf [dreg:s7], $0x5FFFF;
	_ =	strace $0x90000046  }
0xb2: {  	s29 =	simm.s32 $0x9;
	_ =	strace $0x80000048  }
0xb3: {  	_ =	swait.ge [sflag:s29], $0x1  }
0xb4: {  	[sflag:s29] =	ssyncadd.s32 $0xFFFFFFFF  }
0xb5: {  	_ =	strace $0x90000048  }
0xb6: {  	_ =	sfence  }
0xb7: {  	s30 =	sld [smem:$0x0];
	_ =	sdelay $0x2  }
0xb8: {  	s31 =	sshll.u32 s1, $0xD;
	s1 =	sshrl.u32 s1, $0x2  }
0xb9: {  	s3 =	sand.u32 $0x4000, s31;
	s1 =	sadd.s32 s1, s30  }
0xba: {  	s0 =	sor.u32 s3, s0;
	s1 =	sshll.u32 s1, $0x11  }
0xbb: {  	s0 =	sor.u32 s1, s0  }
0xbc: {  	s0 =	sadd.s32 $0x8F2B, s0  }
0xbd: {  	[sflag:s0] =	ssyncadd.remote.s32 $0x1  }
0xbe: {  	_ =	sfence.sel $0xFFFF  }
0xbf: {  	[dreg:$0x0] =	wrdreg $0xFFFFFFFF;
	(pc) =	sbr.abs _section_cstart, $3  }
0xc0: {  	[dreg:$0x1] =	wrdreg $0xFFFFFFFF  }
0xc1: {  	_ =	task.clear_ibuf [dreg:s7], $0x2FFFF;
	_ =	strace $0x9FFFFFFF  }
0xc2: {  	(tm) =	ssettm $0x7FFFFFFF  }
0xc3: {  	_ =	shalt  }
tec
execute0_lowered:
.L_overlay_start_1:
0x0: {  	(tag) =	ssettag $0x1  }
0x1: {  	s0 =	srdreg.scid;
	s3 =	rddreg [dreg:$0x0]  }
0x2: {  	s9 =	stileid.u32;
	s4 =	rddreg [dreg:$0x1]  }
0x3: {  	s2 =	simm.s32 $0x0;
	s12 =	simm.s32 $0x80;
	s13 =	simm.s32 $0x6400  }
0x4: {  	s20 =	simm.s32 $0xA400;
	s29 =	simm.s32 $0xE400;
	s21 =	simm.s32 $0x12400  }
0x5: {  	s15 =	simm.s32 $0x15400;
	s23 =	simm.s32 $0x16400;
	s28 =	simm.s32 $0x18400  }
0x6: {  	s19 =	simm.s32 $0x19400;
	s11 =	simm.s32 $0x3;
	s14 =	simm.s32 $0x4  }
0x7: {  	s16 =	simm.s32 $0x5;
	s18 =	simm.s32 $0x6;
	s22 =	simm.s32 $0x7  }
0x8: {  	s24 =	simm.s32 $0x8;
	s31 =	simm.s32 $0xA;
	s5 =	smul.u32 $0xC800, s9  }
0x9: {  	s0 =	sand.u32 $0x1, s0;
	s1 =	sshll.u32 s9, $0x1;
	s30 =	smul.u32 $0x32000, s9  }
0xa: {  	s17 =	simm.s32 $0x0;
	s1 =	sor.u32 s0, s1;
	s7 =	smul.u32 $0x6400, s0  }
0xb: {  	[smem:$0x7FF] =	sst s2;
	s6 =	ssub.s32 $0x2, s0;
	s1 =	smul.u32 $0xC80, s1  }
0xc: {  	_ =	strace $0x80000047;
	s0 =	smul.u32 $0x19000, s0;
	s8 =	sshrl.u32 s6, $0x1  }
0xd: {  	s6 =	ssub.s32 s6, s8;
	s5 =	sadd.s32 s7, s5;
	s1 =	sadd.s32 s1, s3  }
0xe: {  	s3 =	sadd.s32 $0xF43000, s3;
	s26 =	sshll.u32 s5, $0x2;
	s6 =	smax.u32 s6, $0x1  }
.Ltmp0:
0xf: {  	s1 =	sadd.s32 $0xA00, s1;
	[dreg:$0x4] =	wrdreg s6;
	(pc) =	sbr.rel .LBB2_1-.Ltmp0, $4  }
0x10: {  	s5 =	simm.s32 $0x2;
	[dreg:$0x3] =	wrdreg s1;
	s1 =	sadd.s32 s26, s4  }
0x11: {  	s4 =	sadd.s32 s30, s4;
	s26 =	simm.s32 $0x9;
	s6 =	sadd.s32 $0x2000, s1  }
0x12: {  	s7 =	sadd.s32 $0x1800, s1;
	s8 =	sadd.s32 $0x1000, s1;
	s9 =	sadd.s32 $0x800, s1  }
0x13: {  	s10 =	sadd.s32 s0, s4;
	s1 =	simm.s32 $0x17400;
	s4 =	simm.s32 $0x1  }
.LBB2_4:
0x14: {  	_ =	swait.ge [sflag:s22], $0x4000  }
0x15: {  	[sflag:s22] =	ssyncset.done $0x0  }
0x16: {  	[sflag:s22] =	ssyncadd.s32 $0xFFFFC000  }
0x17: {  	_ =	swait.ge [sflag:s24], $0x4000  }
0x18: {  	[sflag:s24] =	ssyncset.done $0x0  }
0x19: {  	[sflag:s24] =	ssyncadd.s32 $0xFFFFC000  }
0x1a: {  	_ =	swait.ge [sflag:s26], $0x4000  }
0x1b: {  	[sflag:s26] =	ssyncset.done $0x0  }
0x1c: {  	[sflag:s26] =	ssyncadd.s32 $0xFFFFC000  }
0x1d: {  	_ =	swait.ge [sflag:s31], $0x4000  }
0x1e: {  	s17 =	rddreg [dreg:$0x5]  }
0x1f: {  	s0 =	rddreg [dreg:$0x4];
	s17 =	sadd.s32 $0x1, s17  }
0x20: {  	p0 =	sne.s32 s17, s0  }
.Ltmp1:
0x21: {  	_ = 	snop;
	(pc) =	sbr.rel @!p0 .LBB2_5-.Ltmp1, $3  }
0x22: {  	_ =	sdelay $0x1  }
0x23: {  	[sflag:s31] =	ssyncset.done $0x0  }
0x24: {  	[sflag:s31] =	ssyncadd.s32 $0xFFFFC000  }
.LBB2_1:
0x25: {  	[dreg:$0x5] =	wrdreg s17  }
0x26: {  	s0 =	rddreg [dreg:$0x3];
	s30 =	simm.s32 $0xB  }
0x27: {  	[tilespmem:s2], [sflag:$0xB] =	stream.linear.gather [hbm4b:s0+s2], $0x6400, $0x38;
	[tilespmem:$0x1A400] =	vst v63  }
0x28: {  	_ =	swait.ge [sflag:s30], $0x6400  }
0x29: {  	[sflag:s30] =	ssyncset.done $0x0  }
0x2a: {  	[sflag:s30] =	ssyncadd.s32 $0xFFFF9C00  }
0x2b: {  	[tilespmem:s13], [sflag:$0x1] =	stream.indirect.gather [hbm4b:s3+s12], $0x20, s2, s12, $0xb8;
	[tilespmem:$0x1A400] =	vst v63  }
0x2c: {  	s17 =	simm.s32 $0x7400  }
0x2d: {  	[tilespmem:s17], [sflag:$0x1] =	stream.indirect.gather [hbm4b:s3+s12], $0x20, s12, s12, $0xb8;
	[tilespmem:$0x1A400] =	vst v63  }
0x2e: {  	s25 =	simm.s32 $0x100;
	s30 =	simm.s32 $0x8400  }
0x2f: {  	[tilespmem:s30], [sflag:$0x1] =	stream.indirect.gather [hbm4b:s3+s12], $0x20, s25, s12, $0xb8;
	[tilespmem:$0x1A400] =	vst v63  }
0x30: {  	s25 =	simm.s32 $0x180;
	s30 =	simm.s32 $0x9400  }
0x31: {  	[tilespmem:s30], [sflag:$0x1] =	stream.indirect.gather [hbm4b:s3+s12], $0x20, s25, s12, $0xb8;
	[tilespmem:$0x1A400] =	vst v63  }
0x32: {  	s17 =	simm.s32 $0x200  }
0x33: {  	[tilespmem:s20], [sflag:$0x2] =	stream.indirect.gather [hbm4b:s3+s12], $0x20, s17, s12, $0xb8;
	[tilespmem:$0x1A400] =	vst v63  }
0x34: {  	s25 =	simm.s32 $0x280;
	s30 =	simm.s32 $0xB400  }
0x35: {  	[tilespmem:s30], [sflag:$0x2] =	stream.indirect.gather [hbm4b:s3+s12], $0x20, s25, s12, $0xb8;
	[tilespmem:$0x1A400] =	vst v63  }
0x36: {  	s25 =	simm.s32 $0x300;
	s30 =	simm.s32 $0xC400  }
0x37: {  	[tilespmem:s30], [sflag:$0x2] =	stream.indirect.gather [hbm4b:s3+s12], $0x20, s25, s12, $0xb8;
	[tilespmem:$0x1A400] =	vst v63  }
0x38: {  	s25 =	simm.s32 $0x380;
	s30 =	simm.s32 $0xD400  }
0x39: {  	[tilespmem:s30], [sflag:$0x2] =	stream.indirect.gather [hbm4b:s3+s12], $0x20, s25, s12, $0xb8;
	[tilespmem:$0x1A400] =	vst v63  }
0x3a: {  	s17 =	simm.s32 $0x400  }
0x3b: {  	[tilespmem:s29], [sflag:$0x3] =	stream.indirect.gather [hbm4b:s3+s12], $0x20, s17, s12, $0xb8;
	[tilespmem:$0x1A400] =	vst v63  }
0x3c: {  	s25 =	simm.s32 $0x480;
	s30 =	simm.s32 $0xF400  }
0x3d: {  	[tilespmem:s30], [sflag:$0x3] =	stream.indirect.gather [hbm4b:s3+s12], $0x20, s25, s12, $0xb8;
	[tilespmem:$0x1A400] =	vst v63  }
0x3e: {  	s25 =	simm.s32 $0x500;
	s30 =	simm.s32 $0x10400  }
0x3f: {  	[tilespmem:s30], [sflag:$0x3] =	stream.indirect.gather [hbm4b:s3+s12], $0x20, s25, s12, $0xb8;
	[tilespmem:$0x1A400] =	vst v63  }
0x40: {  	s25 =	simm.s32 $0x580;
	s30 =	simm.s32 $0x11400  }
0x41: {  	[tilespmem:s30], [sflag:$0x3] =	stream.indirect.gather [hbm4b:s3+s12], $0x20, s25, s12, $0xb8;
	[tilespmem:$0x1A400] =	vst v63  }
0x42: {  	s17 =	simm.s32 $0x600  }
0x43: {  	[tilespmem:s21], [sflag:$0x4] =	stream.indirect.gather [hbm4b:s3+s12], $0x20, s17, s12, $0xb8;
	[tilespmem:$0x1A400] =	vst v63  }
0x44: {  	s25 =	simm.s32 $0x680;
	s30 =	simm.s32 $0x13400  }
0x45: {  	[tilespmem:s30], [sflag:$0x4] =	stream.indirect.gather [hbm4b:s3+s12], $0x20, s25, s12, $0xb8;
	[tilespmem:$0x1A400] =	vst v63  }
0x46: {  	s25 =	simm.s32 $0x700;
	s30 =	simm.s32 $0x14400  }
0x47: {  	[tilespmem:s30], [sflag:$0x4] =	stream.indirect.gather [hbm4b:s3+s12], $0x20, s25, s12, $0xb8;
	[tilespmem:$0x1A400] =	vst v63  }
0x48: {  	s25 =	simm.s32 $0x780  }
0x49: {  	[tilespmem:s15], [sflag:$0x4] =	stream.indirect.gather [hbm4b:s3+s12], $0x20, s25, s12, $0xb8;
	[tilespmem:$0x1A400] =	vst v63  }
0x4a: {  	s30 =	simm.s32 $0x800  }
0x4b: {  	[tilespmem:s23], [sflag:$0x5] =	stream.indirect.gather [hbm4b:s3+s12], $0x20, s30, s12, $0xb8;
	[tilespmem:$0x1A400] =	vst v63  }
0x4c: {  	s17 =	simm.s32 $0x880  }
0x4d: {  	[tilespmem:s1], [sflag:$0x5] =	stream.indirect.gather [hbm4b:s3+s12], $0x20, s17, s12, $0xb8;
	[tilespmem:$0x1A400] =	vst v63  }
0x4e: {  	s25 =	simm.s32 $0x900  }
0x4f: {  	[tilespmem:s28], [sflag:$0x5] =	stream.indirect.gather [hbm4b:s3+s12], $0x20, s25, s12, $0xb8;
	[tilespmem:$0x1A400] =	vst v63  }
0x50: {  	s0 =	simm.s32 $0x0;
	s30 =	simm.s32 $0x980  }
0x51: {  	[tilespmem:s19], [sflag:$0x5] =	stream.indirect.gather [hbm4b:s3+s12], $0x20, s30, s12, $0xb8;
	[tilespmem:$0x1A400] =	vst v63  }
.LBB2_2:
0x52: {  	_ =	swait.ge [sflag:s4], $0x4000  }
0x53: {  	[sflag:s4] =	ssyncset.done $0x0  }
0x54: {  	s17 =	sadd.s32 s0, s10;
	[sflag:s4] =	ssyncadd.s32 $0xFFFFC000  }
0x55: {  	[hbm4b:s17+s2] =	stream.linear.scatter [tilespmem:s13], [sflag:$0x6], $0x4000, $0x38;
	[tilespmem:$0x1A400] =	vst v63  }
0x56: {  	_ =	swait.ge [sflag:s5], $0x4000  }
0x57: {  	[sflag:s5] =	ssyncset.done $0x0  }
0x58: {  	s25 =	sadd.s32 s0, s9;
	[sflag:s5] =	ssyncadd.s32 $0xFFFFC000  }
0x59: {  	[hbm4b:s25+s2] =	stream.linear.scatter [tilespmem:s20], [sflag:$0x7], $0x4000, $0x38;
	[tilespmem:$0x1A400] =	vst v63  }
0x5a: {  	_ =	swait.ge [sflag:s11], $0x4000  }
0x5b: {  	[sflag:s11] =	ssyncset.done $0x0  }
0x5c: {  	s30 =	sadd.s32 s0, s8;
	[sflag:s11] =	ssyncadd.s32 $0xFFFFC000  }
0x5d: {  	[hbm4b:s30+s2] =	stream.linear.scatter [tilespmem:s29], [sflag:$0x8], $0x4000, $0x38;
	[tilespmem:$0x1A400] =	vst v63  }
0x5e: {  	_ =	swait.ge [sflag:s14], $0x4000  }
0x5f: {  	[sflag:s14] =	ssyncset.done $0x0  }
0x60: {  	s25 =	sadd.s32 s0, s7;
	[sflag:s14] =	ssyncadd.s32 $0xFFFFC000  }
0x61: {  	[hbm4b:s25+s2] =	stream.linear.scatter [tilespmem:s21], [sflag:$0x9], $0x4000, $0x38;
	[tilespmem:$0x1A400] =	vst v63  }
0x62: {  	_ =	swait.ge [sflag:s16], $0x4000  }
0x63: {  	p0 =	seq.s32 s0, $0x16800;
	[sflag:s16] =	ssyncset.done $0x0  }
.Ltmp2:
0x64: {  	s30 =	sadd.s32 s0, s6;
	[sflag:s16] =	ssyncadd.s32 $0xFFFFC000;
	(pc) =	sbr.rel @p0 .LBB2_4-.Ltmp2, $4  }
0x65: {  	[hbm4b:s30+s2] =	stream.linear.scatter [tilespmem:s23], [sflag:$0xA], $0x4000, $0x38;
	[tilespmem:$0x1A400] =	vst v63  }
0x66: {  	_ =	swait.ge [sflag:s18], $0x4000  }
0x67: {  	[sflag:s18] =	ssyncset.done $0x0  }
0x68: {  	[sflag:s18] =	ssyncadd.s32 $0xFFFFC000  }
0x69: {  	s17 =	sshra.s32 s0, $0x2  }
0x6a: {  	s25 =	sadd.s32 $0xA00, s17  }
0x6b: {  	[tilespmem:s13], [sflag:$0x1] =	stream.indirect.gather [hbm4b:s3+s12], $0x20, s25, s12, $0xb8;
	[tilespmem:$0x1A400] =	vst v63  }
0x6c: {  	s30 =	simm.s32 $0x7400;
	s25 =	sadd.s32 $0xA80, s17  }
0x6d: {  	[tilespmem:s30], [sflag:$0x1] =	stream.indirect.gather [hbm4b:s3+s12], $0x20, s25, s12, $0xb8;
	[tilespmem:$0x1A400] =	vst v63  }
0x6e: {  	s25 =	sadd.s32 $0xB00, s17;
	s30 =	simm.s32 $0x8400  }
0x6f: {  	[tilespmem:s30], [sflag:$0x1] =	stream.indirect.gather [hbm4b:s3+s12], $0x20, s25, s12, $0xb8;
	[tilespmem:$0x1A400] =	vst v63  }
0x70: {  	s25 =	sadd.s32 $0xB80, s17;
	s30 =	simm.s32 $0x9400  }
0x71: {  	[tilespmem:s30], [sflag:$0x1] =	stream.indirect.gather [hbm4b:s3+s12], $0x20, s25, s12, $0xb8;
	[tilespmem:$0x1A400] =	vst v63  }
0x72: {  	_ =	swait.ge [sflag:s22], $0x4000  }
0x73: {  	[sflag:s22] =	ssyncset.done $0x0  }
0x74: {  	s30 =	sadd.s32 $0xC00, s17;
	[sflag:s22] =	ssyncadd.s32 $0xFFFFC000  }
0x75: {  	[tilespmem:s20], [sflag:$0x2] =	stream.indirect.gather [hbm4b:s3+s12], $0x20, s30, s12, $0xb8;
	[tilespmem:$0x1A400] =	vst v63  }
0x76: {  	s25 =	sadd.s32 $0xC80, s17;
	s30 =	simm.s32 $0xB400  }
0x77: {  	[tilespmem:s30], [sflag:$0x2] =	stream.indirect.gather [hbm4b:s3+s12], $0x20, s25, s12, $0xb8;
	[tilespmem:$0x1A400] =	vst v63  }
0x78: {  	s25 =	sadd.s32 $0xD00, s17;
	s30 =	simm.s32 $0xC400  }
0x79: {  	[tilespmem:s30], [sflag:$0x2] =	stream.indirect.gather [hbm4b:s3+s12], $0x20, s25, s12, $0xb8;
	[tilespmem:$0x1A400] =	vst v63  }
0x7a: {  	s25 =	sadd.s32 $0xD80, s17;
	s30 =	simm.s32 $0xD400  }
0x7b: {  	[tilespmem:s30], [sflag:$0x2] =	stream.indirect.gather [hbm4b:s3+s12], $0x20, s25, s12, $0xb8;
	[tilespmem:$0x1A400] =	vst v63  }
0x7c: {  	_ =	swait.ge [sflag:s24], $0x4000  }
0x7d: {  	[sflag:s24] =	ssyncset.done $0x0  }
0x7e: {  	s30 =	sadd.s32 $0xE00, s17;
	[sflag:s24] =	ssyncadd.s32 $0xFFFFC000  }
0x7f: {  	[tilespmem:s29], [sflag:$0x3] =	stream.indirect.gather [hbm4b:s3+s12], $0x20, s30, s12, $0xb8;
	[tilespmem:$0x1A400] =	vst v63  }
0x80: {  	s25 =	sadd.s32 $0xE80, s17;
	s30 =	simm.s32 $0xF400  }
0x81: {  	[tilespmem:s30], [sflag:$0x3] =	stream.indirect.gather [hbm4b:s3+s12], $0x20, s25, s12, $0xb8;
	[tilespmem:$0x1A400] =	vst v63  }
0x82: {  	s25 =	sadd.s32 $0xF00, s17;
	s30 =	simm.s32 $0x10400  }
0x83: {  	[tilespmem:s30], [sflag:$0x3] =	stream.indirect.gather [hbm4b:s3+s12], $0x20, s25, s12, $0xb8;
	[tilespmem:$0x1A400] =	vst v63  }
0x84: {  	s25 =	sadd.s32 $0xF80, s17;
	s30 =	simm.s32 $0x11400  }
0x85: {  	[tilespmem:s30], [sflag:$0x3] =	stream.indirect.gather [hbm4b:s3+s12], $0x20, s25, s12, $0xb8;
	[tilespmem:$0x1A400] =	vst v63  }
0x86: {  	_ =	swait.ge [sflag:s26], $0x4000  }
0x87: {  	[sflag:s26] =	ssyncset.done $0x0  }
0x88: {  	s30 =	sadd.s32 $0x1000, s17;
	[sflag:s26] =	ssyncadd.s32 $0xFFFFC000  }
0x89: {  	[tilespmem:s21], [sflag:$0x4] =	stream.indirect.gather [hbm4b:s3+s12], $0x20, s30, s12, $0xb8;
	[tilespmem:$0x1A400] =	vst v63  }
0x8a: {  	s25 =	sadd.s32 $0x1080, s17;
	s30 =	simm.s32 $0x13400  }
0x8b: {  	[tilespmem:s30], [sflag:$0x4] =	stream.indirect.gather [hbm4b:s3+s12], $0x20, s25, s12, $0xb8;
	[tilespmem:$0x1A400] =	vst v63  }
0x8c: {  	s25 =	sadd.s32 $0x1100, s17;
	s30 =	simm.s32 $0x14400  }
0x8d: {  	[tilespmem:s30], [sflag:$0x4] =	stream.indirect.gather [hbm4b:s3+s12], $0x20, s25, s12, $0xb8;
	[tilespmem:$0x1A400] =	vst v63  }
0x8e: {  	s30 =	sadd.s32 $0x1180, s17  }
0x8f: {  	[tilespmem:s15], [sflag:$0x4] =	stream.indirect.gather [hbm4b:s3+s12], $0x20, s30, s12, $0xb8;
	[tilespmem:$0x1A400] =	vst v63  }
0x90: {  	_ =	swait.ge [sflag:s31], $0x4000  }
0x91: {  	[sflag:s31] =	ssyncset.done $0x0  }
0x92: {  	s30 =	sadd.s32 $0x1200, s17;
	[sflag:s31] =	ssyncadd.s32 $0xFFFFC000  }
0x93: {  	[tilespmem:s23], [sflag:$0x5] =	stream.indirect.gather [hbm4b:s3+s12], $0x20, s30, s12, $0xb8;
	[tilespmem:$0x1A400] =	vst v63  }
0x94: {  	s30 =	sadd.s32 $0x1280, s17  }
0x95: {  	[tilespmem:s1], [sflag:$0x5] =	stream.indirect.gather [hbm4b:s3+s12], $0x20, s30, s12, $0xb8;
	[tilespmem:$0x1A400] =	vst v63  }
.Ltmp3:
0x96: {  	_ = 	snop;
	(pc) =	sbr.rel .LBB2_2-.Ltmp3, $4  }
0x97: {  	s30 =	sadd.s32 $0x1300, s17  }
0x98: {  	[tilespmem:s28], [sflag:$0x5] =	stream.indirect.gather [hbm4b:s3+s12], $0x20, s30, s12, $0xb8;
	[tilespmem:$0x1A400] =	vst v63  }
0x99: {  	s0 =	sadd.s32 $0x2800, s0;
	s17 =	sadd.s32 $0x1380, s17  }
0x9a: {  	[tilespmem:s19], [sflag:$0x5] =	stream.indirect.gather [hbm4b:s3+s12], $0x20, s17, s12, $0xb8;
	[tilespmem:$0x1A400] =	vst v63  }
.LBB2_5:
0x9b: {  	_ =	sfence.sel $0x180000  }
0x9c: {  	[bflag:$0x0] =	sbarrier.arrive $0xFFFF  }
0x9d: {  	_ =	strace $0x90000047  }
0x9e: {  	s0 =	stileid.u32;
	[bflag:$0x2] =	sbarrier.arrive $0xFFFF  }
0x9f: {  	p0 =	sne.s32 s0, $0x0;
	s0 =	rddreg [dreg:$0x2]  }
0xa0: {  	s0 =	sadd.s32 @!p0 $0x100000, s0  }
0xa1: {  	[sflag:s0] =	ssyncadd.tile.s32 @!p0 $0x1;
	_ =	shalt  }
.Lfunc_end2:
_tile_overlayer_lowered:
.L_overlay_start_2:
0xa2: {  	(tag) =	ssettag $0x2  }
0xa3: {  	s0 =	rddreg [dreg:$0x0];
	s2 =	stileid.u32  }
0xa4: {  	s1 =	rddreg [dreg:$0x1];
	p0 =	sne.s32 s2, $0x0  }
0xa5: {  	s3 =	rddreg [dreg:$0x2];
	[bflag:$0x3] =	sbarrier.arrive $0xFFFF;
	s2 =	simm.s32 @!p0 $0x1C0B  }
0xa6: {  	[timem:s3], [sflag:s2] =	dma.local @!p0 [hbm:s0], s1  }
0xa7: {  	s0 =	simm.s32 @!p0 $0xB  }
0xa8: {  	_ =	swait.ge @!p0 [sflag:s0], s1  }
0xa9: {  	s1 =	ssub.s32 @!p0 $0x0, s1;
	[sflag:s0] =	ssyncset.done @!p0 $0x0  }
0xaa: {  	[sflag:s0] =	ssyncadd.s32 @!p0 s1  }
0xab: {  	[bflag:$0x3] =	sbarrier.arrive $0xFFFF  }
0xac: {  	_ =	shalt  }

// kernel: sparse-core-data-format-call.cloned.1.call-start
scs
called_computation_lowered:
.L_overlay_start_0:
0x0: {  	s2 =	sld [smem:$0x3FD9]  }
0x1: {  	s3 =	sld [smem:$0x3FFE];
	_ =	sdelay $0x1  }
0x2: {  	s1 =	srdreg.scid  }
0x3: {  	s0 =	sand.u32 $0x1, s1  }
0x4: {  	s18 =	sshll.u32 s0, $0xA;
	s2 =	sadd.s32 s3, s2  }
0x5: {  	s2 =	sadd.s32 s2, s18  }
0x6: {  	[smem:$0x3FC6] =	sst s2  }
0x7: {  	_ = 	snop  }
0x8: {  	s2 =	sld [smem:$0x3FD0];
	(tm) =	ssettm $0x1  }
0x9: {  	s19 =	sld [smem:$0x3FFB];
	_ =	sdelay $0x3  }
0xa: {  	_ =	strace s19  }
0xb: {  	s3 =	sld [smem:$0x3FFC];
	_ =	sdelay $0x3  }
0xc: {  	_ =	strace s3  }
0xd: {  	s3 =	sld [smem:$0x3FFD];
	_ =	sdelay $0x3  }
0xe: {  	_ =	strace s3  }
0xf: {  	_ =	strace $0x8FFFFFFF  }
0x10: {  	s20 =	sld [smem:$0x3FDB];
	_ =	sdelay $0x1  }
0x11: {  	s4 =	simm.s32 $_scs_section_size  }
0x12: {  	s5 =	simm.s32 $_size__tile_overlayer_lowered;
	s6 =	simm.s32 $_tile_overlayer_lowered  }
0x13: {  	s23 =	simm.s32 $0x1BFF;
	s22 =	sshll.u32 s6, $0x1;
	s3 =	sadd.s32 s4, s20  }
0x14: {  	s7 =	simm.s32 $0x0;
	s21 =	sshll.u32 s5, $0x1;
	s5 =	sadd.s32 s22, s3  }
0x15: {  	[timem:s7], [sflag:s23] =	dma.local [hbm:s5], s21  }
0x16: {  	_ =	swait.ge [sflag:s23], s21  }
0x17: {  	s4 =	ssub.s32 $0x0, s21;
	[sflag:s23] =	ssyncset.done $0x0  }
0x18: {  	[sflag:s23] =	ssyncadd.s32 s4;
	_ =	sdelay $0x1  }
0x19: {  	s24 =	simm.s32 $0x1B8B  }
0x1a: {  	_ =	swait.ge [sflag:s24], $0x1  }
0x1b: {  	[sflag:s24] =	ssyncset.done $0x0  }
0x1c: {  	s26 =	simm.s32 $0x1B8E;
	s25 =	sld [smem:$0x3FFE];
	[sflag:s24] =	ssyncadd.s32 $0xFFFFFFFF  }
0x1d: {  	s27 =	simm.s32 $execute0_lowered;
	[smem:$0x3FD2] =	sst s26  }
0x1e: {  	s5 =	sshll.u32 s27, $0x1;
	_ =	strace $0x80000049;
	[dreg:$0x1] =	wrdreg $0xFFFFFFFF  }
0x1f: {  	s28 =	simm.s32 $_size_execute0_lowered;
	s3 =	sadd.s32 s3, s5;
	[dreg:$0x0] =	wrdreg $0x0  }
0x20: {  	s5 =	sshll.u32 s28, $0x1;
	[dreg:$0x2] =	wrdreg s3  }
0x21: {  	[dreg:$0x3] =	wrdreg s5  }
0x22: {  	[dreg:$0x4] =	wrdreg $0xC0  }
0x23: {  	_ =	task [dreg:s7], $0x5FFFF  }
0x24: {  	[dreg:$0x1] =	wrdreg $0xFFFFFFFF  }
0x25: {  	[dreg:$0x0] =	wrdreg $0x60  }
0x26: {  	[dreg:$0x2] =	wrdreg s25  }
0x27: {  	[dreg:$0x3] =	wrdreg s2  }
0x28: {  	[dreg:$0x4] =	wrdreg $0x9  }
0x29: {  	_ =	task.clear_ibuf [dreg:s7], $0x5FFFF;
	_ =	strace $0x90000049  }
0x2a: {  	s29 =	simm.s32 $0x9;
	_ =	strace $0x8000004B  }
0x2b: {  	_ =	swait.ge [sflag:s29], $0x1  }
0x2c: {  	[sflag:s29] =	ssyncadd.s32 $0xFFFFFFFF  }
0x2d: {  	_ =	strace $0x9000004B  }
0x2e: {  	_ =	sfence  }
0x2f: {  	s30 =	sld [smem:$0x0];
	_ =	sdelay $0x2  }
0x30: {  	s31 =	sshll.u32 s1, $0xD;
	s1 =	sshrl.u32 s1, $0x2  }
0x31: {  	s3 =	sand.u32 $0x4000, s31;
	s1 =	sadd.s32 s1, s30  }
0x32: {  	s0 =	sor.u32 s3, s0;
	s1 =	sshll.u32 s1, $0x11  }
0x33: {  	s0 =	sor.u32 s1, s0  }
0x34: {  	s0 =	sadd.s32 $0x8F2B, s0  }
0x35: {  	[sflag:s0] =	ssyncadd.remote.s32 $0x1  }
0x36: {  	_ =	sfence.sel $0xFFFF  }
0x37: {  	[dreg:$0x0] =	wrdreg $0xFFFFFFFF;
	(pc) =	sbr.abs _section_cstart, $3  }
0x38: {  	[dreg:$0x1] =	wrdreg $0xFFFFFFFF  }
0x39: {  	_ =	task.clear_ibuf [dreg:s7], $0x2FFFF;
	_ =	strace $0x9FFFFFFF  }
0x3a: {  	(tm) =	ssettm $0x7FFFFFFF  }
0x3b: {  	_ =	shalt  }
tec
execute0_lowered:
.L_overlay_start_1:
0x0: {  	(tag) =	ssettag $0x1  }
0x1: {  	s0 =	srdreg.scid  }
0x2: {  	s1 =	sshll.u32 s0, $0x4  }
0x3: {  	s0 =	stileid.u32;
	s1 =	sand.u32 $0x10, s1  }
0x4: {  	s1 =	sor.u32 s0, s1  }
0x5: {  	s6 =	rddreg [dreg:$0x0];
	s4 =	simm.s32 $0x1;
	s2 =	sshll.u32 s1, $0x7  }
0x6: {  	s7 =	simm.s32 $0x2;
	s12 =	simm.s32 $0x0;
	s1 =	ssub.s32 $0x1000, s2  }
0x7: {  	s8 =	simm.s32 $0x8000;
	s13 =	simm.s32 $0x0;
	s3 =	sand.u32 $0xF80, s1  }
0x8: {  	s9 =	simm.s32 $0x0;
	s5 =	sshrl.u32 s1, $0xC;
	p0 =	sne.s32 s3, $0x0  }
.Ltmp0:
0x9: {  	s1 =	rddreg [dreg:$0x2];
	s4 =	simm.s32 @!p0 $0x0;
	(pc) =	sbr.rel .LBB1_1-.Ltmp0, $4  }
0xa: {  	s11 =	simm.s32 $0x0;
	s3 =	rddreg [dreg:$0x1];
	s5 =	sadd.s32 s4, s5  }
0xb: {  	_ =	strace $0x8000004A;
	s4 =	simm.s32 $0x1;
	s5 =	smul.u32 $0xC8, s5  }
0xc: {  	s6 =	sadd.s32 $0xA00, s6;
	s10 =	smov.u32 s2;
	[sflag:s4] =	ssyncpa.u1 $0x0  }
0xd: {  	p0 =	por $0x0, $0x0;
	[sflag:s7] =	ssyncpa.u1 $0x0;
	s7 =	sor.u32 $0x1, s5  }
.LBB1_4:
0xe: {  	s16 =	sshll.u32 s13, $0x3;
	s17 =	sand.u32 $0x78, s13  }
0xf: {  	s30 =	sand.u32 $0x3E00, s13;
	s12 =	sshll.u32 s12, $0xE;
	s16 =	sand.u32 $0xC00, s16  }
0x10: {  	s31 =	sand.u32 $0x7, s13;
	s16 =	sor.u32 s17, s16;
	s17 =	sadd.s32 s3, s30  }
0x11: {  	s13 =	sshll.u32 s31, $0x12;
	s16 =	sshrl.u32 s16, $0x3;
	s12 =	sadd.s32 s12, s17  }
0x12: {  	[tilespmem:s15+$0x0 ss:$0x81] =	vst.msk $0xffff, v0;
	s13 =	sor.u32 $0x400, s13;
	s12 =	sadd.s32 s16, s12  }
0x13: {  	[hbm4b:s12+s13] =	stream.strided.scatter [tilespmem:s14], [sflag:$0x2], $0x1000, s8, s13, $0x20;
	[tilespmem:$0x4040] =	vst v63  }
.LBB1_5:
0x14: {  	s14 =	sadd.s32 $0x1, s9  }
0x15: {  	s12 =	sadd.s32 $0x1000, s10;
	s16 =	smov.u32 s10;
	p2 =	sgt.s32 s14, $0xC7  }
0x16: {  	s16 =	smov.u32 @p2 s12  }
0x17: {  	s14 =	simm.s32 @p2 $0x0;
	p2 =	sgt.s32 s16, $0xFFF  }
0x18: {  	s16 =	smov.u32 @p2 s2;
	p2 =	sne.s32 s11, s7  }
.Ltmp1:
0x19: {  	p1 =	slt.u32 s11, $0x2;
	(pc) =	sbr.rel @!p2 .LBB1_6-.Ltmp1, $4  }
0x1a: {  	s15 =	simm.s32 @!p1 $0x2  }
0x1b: {  	s13 =	smov.u32 s10;
	p0 =	por !p0, !p0;
	_ =	swait.ge @!p1 [sflag:s15], $0x1000  }
0x1c: {  	s12 =	smov.u32 s9;
	[sflag:s15] =	ssyncset.done @!p1 $0x0;
	s9 =	smov.u32 s14  }
0x1d: {  	s11 =	sadd.s32 $0x1, s11;
	[sflag:s15] =	ssyncadd.s32 @!p1 $0xFFFFF000;
	s10 =	smov.u32 s16  }
.LBB1_1:
0x1e: {  	p1 =	sge.u32 s11, s5  }
0x1f: {  	s14 =	sand.u32 @!p1 $0x1FFFFFF, s9  }
0x20: {  	s15 =	smulhi.u32 @!p1 $0x147AE15, s14;
	_ =	sdelay $0x1  }
0x21: {  	s15 =	smul.u32 @!p1 $0xC8, s15  }
0x22: {  	s16 =	sxor.u32 @!p1 $0xFFFFFFFF, s11;
	s17 =	smul.u32 @!p1 $0xC80, s10  }
0x23: {  	s31 =	sadd.s32 $0xFFFFFFFF, s11;
	s16 =	sshll.u32 @!p1 s16, $0xC;
	s14 =	ssub.s32 @!p1 s14, s15  }
0x24: {  	s15 =	sand.u32 @!p1 $0x1000, s16;
	s16 =	sadd.s32 @!p1 s6, s17;
	s14 =	sshll.u32 @!p1 s14, $0x4  }
0x25: {  	s17 =	simm.s32 @!p1 $0x6400;
	s14 =	sadd.s32 @!p1 s14, s16;
	s16 =	simm.s32 @!p1 $0x20  }
0x26: {  	[tilespmem:s15], [sflag:$0x1] =	stream.strided.gather @!p1 [hbm4b:s14+s16], $0x1000, s17, s16, $0x38;
	[tilespmem:$0x4040] =	vst v63  }
0x27: {  	p1 =	sge.u32 s31, s5  }
.Ltmp2:
0x28: {  	_ = 	snop;
	(pc) =	sbr.rel @p1 .LBB1_5-.Ltmp2, $1  }
0x29: {  	_ =	sdelay $0x3  }
0x2a: {  	s14 =	simm.s32 $0x1  }
0x2b: {  	_ =	swait.ge [sflag:s4], $0x1000;
	s14 =	simm.s32 @!p0 $0x0  }
0x2c: {  	[sflag:s4] =	ssyncset.done $0x0;
	s15 =	sshll.u32 s14, $0xC  }
0x2d: {  	[sflag:s4] =	ssyncadd.s32 $0xFFFFF000;
	s18 =	sor.u32 $0x10, s15  }
0x2e: {  	s14 =	smul.u32 $0x4080, s14;
	v1 =	vld [tilespmem:s18+$0x0]  }
0x2f: {  	s30 =	sand.u32 $0x1, s11;
	v0 =	vld [tilespmem:s18+$0xFFFFFFF0]  }
0x30: {  	s15 =	smul.u32 $0x4080, s30;
	s14 =	sshrl.u32 s14, $0x2  }
0x31: {  	s16 =	sor.u32 $0x2000, s14  }
0x32: {  	s31 =	sshrl.u32 s15, $0x2;
	s15 =	sadd.s32 $0x0, s16  }
0x33: {  	s17 =	simm.s32 $0x4;
	s18 =	sadd.s32 $0x20, s18;
	s14 =	sor.u32 $0x2000, s31;
	[tilespmem:s15+$0x810 ss:$0x81] =	vst.msk $0xffff, v1  }
.LBB1_3:
0x34: {  	v1 =	vld [tilespmem:s18+$0x0];
	p1 =	sne.s32 s17, $0x1FC;
	[tilespmem:s15+$0x0 ss:$0x81] =	vst.msk $0xffff, v0;
	s15 =	smov.u32 s17;
	s17 =	sadd.s32 $0x4, s17  }
.Ltmp3:
0x35: {  	v0 =	vld [tilespmem:s18+$0xFFFFFFF0];
	(pc) =	sbr.rel @p1 .LBB1_3-.Ltmp3, $4  }
0x36: {  	_ = 	snop  }
0x37: {  	s15 =	sshra.s32 s15, $0x2  }
0x38: {  	s15 =	sadd.s32 s15, s16  }
0x39: {  	s18 =	sadd.s32 $0x20, s18;
	[tilespmem:s15+$0x810 ss:$0x81] =	vst.msk $0xffff, v1  }
.Ltmp4:
0x3a: {  	_ = 	snop;
	(pc) =	sbr.rel .LBB1_4-.Ltmp4, $1  }
0x3b: {  	_ =	sdelay $0x3  }
.LBB1_6:
0x3c: {  	_ =	sfence.sel $0x180000  }
0x3d: {  	s2 =	simm.s32 $0x1;
	[bflag:$0x0] =	sbarrier.arrive $0xFFFF  }
0x3e: {  	s31 =	simm.s32 $0x2;
	[sflag:s2] =	ssyncpa.u1 $0x1  }
0x3f: {  	[sflag:s31] =	ssyncpa.u1 $0x1  }
0x40: {  	p0 =	sne.s32 s0, $0x0;
	_ =	strace $0x9000004A  }
0x41: {  	s0 =	sadd.s32 @!p0 $0x100000, s1;
	[bflag:$0x2] =	sbarrier.arrive $0xFFFF  }
0x42: {  	[sflag:s0] =	ssyncadd.tile.s32 @!p0 $0x1;
	_ =	shalt  }
.Lfunc_end1:
_tile_overlayer_lowered:
.L_overlay_start_2:
0x43: {  	(tag) =	ssettag $0x2  }
0x44: {  	s0 =	rddreg [dreg:$0x0];
	s2 =	stileid.u32  }
0x45: {  	s1 =	rddreg [dreg:$0x1];
	p0 =	sne.s32 s2, $0x0  }
0x46: {  	s3 =	rddreg [dreg:$0x2];
	[bflag:$0x3] =	sbarrier.arrive $0xFFFF;
	s2 =	simm.s32 @!p0 $0x1C01  }
0x47: {  	[timem:s3], [sflag:s2] =	dma.local @!p0 [hbm:s0], s1  }
0x48: {  	s0 =	simm.s32 @!p0 $0x1  }
0x49: {  	_ =	swait.ge @!p0 [sflag:s0], s1  }
0x4a: {  	s1 =	ssub.s32 @!p0 $0x0, s1;
	[sflag:s0] =	ssyncset.done @!p0 $0x0  }
0x4b: {  	[sflag:s0] =	ssyncadd.s32 @!p0 s1  }
0x4c: {  	[bflag:$0x3] =	sbarrier.arrive $0xFFFF  }
0x4d: {  	_ =	shalt  }

</sc_bundles>
